<compile_context>
chip_gen: v7x
topology: tpu7x:2x2x1
jax: 0.10.2.dev20260603
libtpu: 0.0.44.dev20260713+nightly
codegen_flags: <defaults>
</compile_context>

<pallas_src>
import functools

import jax
import jax.numpy as jnp
from jax import lax
from jax.experimental import pallas as pl
from jax.experimental.pallas import tpu as pltpu
from jax.experimental.pallas import tpu_sc as plsc

_H = 512
_W = 512
_L = 6
_HW = _H * _W
_K = _HW // 2
_NR = 20
_CR = 16
_NCHUNK = _H // _CR
_GRP = _CR * _W // 16
_B1 = 16384
_B2 = 65536
_KTAP = 5


def _conv_body(gb_ref, conf_ref, warp_ref, bmat_ref, maps_ref):
    c0 = conf_ref[0, 0, 0]
    c1 = conf_ref[0, 0, 1]
    s = jax.nn.sigmoid(jnp.maximum(c0, c1))
    s = s * warp_ref[0, 0]
    sb = s.astype(jnp.bfloat16)
    zc = jnp.zeros((_H, 2), jnp.bfloat16)
    sp = jnp.concatenate([zc, sb, zc], axis=1)
    zr = jnp.zeros((2, _W + 4), jnp.bfloat16)
    sp = jnp.concatenate([zr, sp, zr], axis=0)
    acc = jnp.full((_H, _W), gb_ref[0], jnp.float32)
    for dy in range(_KTAP):
        acc = acc + jax.lax.dot_general(
            sp[dy:dy + _H, :], bmat_ref[dy],
            (((1,), (0,)), ((), ())),
            preferred_element_type=jnp.float32)
    maps_ref[0] = acc


def _scan_desc(read16, nbins, kr, iot):
    def coarse(d, car):
        acc, dstar, accstar = car
        base = nbins - 64 * (d + 1)
        tot = jnp.int32(0)
        for q in range(4):
            tot = tot + jnp.sum(read16(base + q * 16))
        newacc = acc + tot
        hit = jnp.logical_and(dstar < 0, newacc >= kr)
        return (newacc,
                jnp.where(hit, d, dstar),
                jnp.where(hit, acc, accstar))

    _, dstar, accstar = lax.fori_loop(
        0, nbins // 64, coarse, (jnp.int32(0), jnp.int32(-1), jnp.int32(0)))

    def fine(q, car):
        acc2, jstar, ngt, nge = car
        base = nbins - 64 * (dstar + 1) + (3 - q) * 16
        ch = read16(base)
        rv = lax.rev(ch, (0,))
        cs = plsc.cumsum(rv)
        cond = (acc2 + cs) >= kr
        nf = jnp.sum(jnp.where(cond, 1, 0))
        p = 16 - nf
        csp = jnp.sum(jnp.where(iot == p, cs, 0))
        rvp = jnp.sum(jnp.where(iot == p, rv, 0))
        hit = jnp.logical_and(jstar < 0, nf > 0)
        return (acc2 + jnp.sum(ch),
                jnp.where(hit, base + 15 - p, jstar),
                jnp.where(hit, acc2 + csp - rvp, ngt),
                jnp.where(hit, acc2 + csp, nge))

    _, jstar, ngt, nge = lax.fori_loop(
        0, 4, fine, (accstar, jnp.int32(-1), jnp.int32(0), jnp.int32(0)))
    return jstar, ngt, nge


def _sc_body(maps_hbm, zeros_hbm, out_hbm,
             buf0, buf1, hist1, hist2, outv, sem0, sem1):
    wid = lax.axis_index("s") * 2 + lax.axis_index("c")

    @pl.when(wid < _NR)
    def _():
        pltpu.sync_copy(zeros_hbm.at[pl.ds(0, 2 * _B1)], hist1)
        pltpu.sync_copy(zeros_hbm.at[pl.ds(0, _B2 + 16)], hist2)
        iot = lax.iota(jnp.int32, 16)

        def run_pass(proc_chunk):
            pltpu.async_copy(maps_hbm.at[wid, pl.ds(0, _CR)], buf0, sem0)
            pltpu.async_copy(maps_hbm.at[wid, pl.ds(_CR, _CR)], buf1, sem1)

            def outer(cb, _):
                for par, (buf, sem) in enumerate(((buf0, sem0), (buf1, sem1))):
                    c = 2 * cb + par
                    pltpu.make_async_copy(
                        maps_hbm.at[wid, pl.ds(c * _CR, _CR)], buf, sem).wait()
                    proc_chunk(buf)

                    @pl.when(c + 2 < _NCHUNK)
                    def _():
                        pltpu.async_copy(
                            maps_hbm.at[wid, pl.ds((c + 2) * _CR, _CR)],
                            buf, sem)
                return 0

            lax.fori_loop(0, _NCHUNK // 2, outer, 0)

        def proc1(buf):
            @plsc.parallel_loop(0, _GRP, 2, unroll=4)
            def _loop(t):
                for h in range(2):
                    tt = t + h
                    i = tt >> 5
                    off = (tt & 31) * 16
                    b = plsc.bitcast(buf[i, pl.ds(off, 16)], jnp.int32)
                    k1 = lax.shift_right_logical(b, 16)
                    cnt, last = plsc.scan_count(k1)
                    plsc.addupdate_scatter(
                        hist1, [k1 + h * _B1], cnt, mask=last)

        run_pass(proc1)

        def read1(base):
            return hist1[pl.ds(base, 16)] + hist1[pl.ds(base + _B1, 16)]

        j1, ngt1, _ = _scan_desc(read1, _B1, jnp.int32(_K), iot)

        def proc2(buf):
            @plsc.parallel_loop(0, _GRP, 1, unroll=8)
            def _loop(t):
                i = t >> 5
                off = (t & 31) * 16
                b = plsc.bitcast(buf[i, pl.ds(off, 16)], jnp.int32)
                hi = lax.shift_right_logical(b, 16)
                idx = jnp.where(hi == j1, b & jnp.int32(0xFFFF),
                                jnp.int32(_B2))
                cnt, last = plsc.scan_count(idx)
                plsc.addupdate_scatter(hist2, [idx], cnt, mask=last)

        run_pass(proc2)

        def read2(base):
            return hist2[pl.ds(base, 16)]

        j2, _, nge2 = _scan_desc(read2, _B2, jnp.int32(_K) - ngt1, iot)

        tbits = lax.shift_left(j1, 16) | j2
        cge = (ngt1 + nge2).astype(jnp.float32)
        tvec = plsc.bitcast(jnp.where(iot == 0, tbits, 0), jnp.float32)
        outv[pl.ds(0, 16)] = tvec + jnp.where(iot == 1, cge, jnp.float32(0))
        pltpu.sync_copy(outv, out_hbm.at[wid])


def _mask_body(thr_ref, maps_ref, out_ref):
    i = pl.program_id(0)
    l = i % _L

    @pl.when(l == 0)
    def _():
        out_ref[0] = jnp.ones((_H, _W), jnp.float32)

    @pl.when(l != 0)
    def _():
        t = thr_ref[(i // _L) * (_L - 1) + l - 1]
        out_ref[0] = (maps_ref[0] >= t).astype(jnp.float32)


def _rtne_bf16_f32(x):
    u = lax.bitcast_convert_type(x, jnp.uint32)
    u = (u + jnp.uint32(0x7FFF) + ((u >> 16) & jnp.uint32(1))) & jnp.uint32(0xFFFF0000)
    return lax.bitcast_convert_type(u, jnp.float32)


def kernel(batch_confidence_maps, B, batch_warp_maks_list, gw, gb):
    Bs, L, C, H, W = batch_confidence_maps.shape
    wq = _rtne_bf16_f32(gw.reshape(_KTAP, _KTAP))
    iu = lax.broadcasted_iota(jnp.int32, (_W + 4, _W), 0)
    ix = lax.broadcasted_iota(jnp.int32, (_W + 4, _W), 1)
    d = iu - ix
    bmat = jnp.zeros((_KTAP, _W + 4, _W), jnp.float32)
    for k in range(_KTAP):
        bmat = bmat + jnp.where(d == k, 1.0, 0.0)[None] * wq[:, k, None, None]
    bmat = bmat.astype(jnp.bfloat16)

    maps = pl.pallas_call(
        _conv_body,
        grid=(_NR,),
        in_specs=[
            pl.BlockSpec(memory_space=pltpu.SMEM),
            pl.BlockSpec((1, 1, C, H, W),
                         lambda i: (i // (L - 1), i % (L - 1) + 1, 0, 0, 0)),
            pl.BlockSpec((1, 1, H, W), lambda i: (i // (L - 1), 0, 0, 0)),
            pl.BlockSpec((_KTAP, _W + 4, _W), lambda i: (0, 0, 0)),
        ],
        out_specs=pl.BlockSpec((1, H, W), lambda i: (i, 0, 0)),
        out_shape=jax.ShapeDtypeStruct((_NR, H, W), jnp.float32),
        compiler_params=pltpu.CompilerParams(
            dimension_semantics=("arbitrary",)),
    )(gb, batch_confidence_maps, batch_warp_maks_list, bmat)

    zeros = jnp.zeros((_B2 + 16,), jnp.int32)
    mesh = plsc.VectorSubcoreMesh(core_axis_name="c", subcore_axis_name="s")
    scout = pl.kernel(
        _sc_body,
        out_type=jax.ShapeDtypeStruct((32, 128), jnp.float32),
        mesh=mesh,
        scratch_types=[
            pltpu.VMEM((_CR, _W), jnp.float32),
            pltpu.VMEM((_CR, _W), jnp.float32),
            pltpu.VMEM((2 * _B1,), jnp.int32),
            pltpu.VMEM((_B2 + 16,), jnp.int32),
            pltpu.VMEM((128,), jnp.float32),
            pltpu.SemaphoreType.DMA,
            pltpu.SemaphoreType.DMA,
        ],
        compiler_params=pltpu.CompilerParams(needs_layout_passes=False),
    )(maps, zeros)

    thr = scout[:_NR, 0]
    counts = scout[:_NR, 1]

    masks = pl.pallas_call(
        _mask_body,
        grid=(Bs * L,),
        in_specs=[
            pl.BlockSpec(memory_space=pltpu.SMEM),
            pl.BlockSpec((1, H, W),
                         lambda i: ((i // L) * (L - 1) + jnp.maximum(i % L, 1) - 1,
                                    0, 0)),
        ],
        out_specs=pl.BlockSpec((1, H, W), lambda i: (i, 0, 0)),
        out_shape=jax.ShapeDtypeStruct((Bs * L, H, W), jnp.float32),
        compiler_params=pltpu.CompilerParams(
            dimension_semantics=("arbitrary",)),
    )(thr, maps)

    rate = jnp.sum(counts) / jnp.float32(Bs * (L - 1) * H * W)
    return masks.reshape(Bs * L, 1, H, W), rate

# --- scband reference (transcript-rebuilt; emitter-appended) ---
"""Pipeline reference for scband-communication-13932873908844 (READ-ONLY COPY).

The authoritative reference and input builder live on the scoring server;
editing this copy changes nothing except your own understanding.
"""

import jax, jax.numpy as jnp
import numpy as np


def _gaussian_kernel(k_size=5, sigma=1.0):
    center = k_size // 2
    x, y = np.mgrid[0 - center:k_size - center, 0 - center:k_size - center]
    g = 1.0 / (2.0 * np.pi * sigma) * np.exp(-(np.square(x) + np.square(y)) / (2.0 * np.square(sigma)))
    return jnp.asarray(g, dtype=jnp.float32).reshape(1, 1, k_size, k_size)


def setup_inputs(seed: int = 0) -> dict:
    key = jax.random.key(seed)
    k1, _ = jax.random.split(key)
    B, L, C, H, W = 4, 6, 2, 512, 512
    batch_confidence_maps = jax.random.normal(k1, (B, L, C, H, W), dtype=jnp.float32)
    batch_warp_maks_list = jnp.ones((B, 1, H, W), dtype=jnp.float32)
    gw = _gaussian_kernel(5, 1.0)
    gb = jnp.zeros((1,), dtype=jnp.float32)
    return {"batch_confidence_maps": batch_confidence_maps, "B": B,
            "batch_warp_maks_list": batch_warp_maks_list, "gw": gw, "gb": gb}


def reference(batch_confidence_maps, B, batch_warp_maks_list, gw, gb):
    # eval-mode path with k_ratio=0.5 and gaussian smoothing enabled
    k_ratio = 0.5
    B_static, L, C, H, W = batch_confidence_maps.shape
    K = int(H * W * k_ratio)
    communication_masks = []
    communication_rates = []
    for b in range(B_static):
        ori = jnp.max(jax.nn.sigmoid(batch_confidence_maps[b]), axis=1, keepdims=True)  # (L,1,H,W)
        ori = ori * batch_warp_maks_list[b]  # broadcast (1,H,W)
        maps = jax.lax.conv_general_dilated(
            ori, gw, window_strides=(1, 1), padding='SAME',
            dimension_numbers=('NCHW', 'OIHW', 'NCHW')) + gb.reshape(1, 1, 1, 1)
        flat = maps.reshape(L, H * W)
        _, idx = jax.lax.top_k(flat, K)
        mask = jnp.zeros_like(flat).at[jnp.arange(L)[:, None], idx].set(1.0)
        mask = mask.reshape(L, 1, H, W)
        rate = mask[1:].sum() / ((L - 1) * H * W)
        mask = mask.at[0].set(1.0)
        communication_masks.append(mask)
        communication_rates.append(rate)
    communication_rate = sum(communication_rates) / B
    communication_masks = jnp.concatenate(communication_masks, axis=0)
    return (communication_masks, communication_rate)

if __name__ == "__main__":
    import jax
    _d = setup_inputs()
    print(jax.jit(kernel)(*tuple(_d.values())))

</pallas_src>

<mosaic_0001>
#map = affine_map<(d0, d1) -> (0, 0, 0)>
#map1 = affine_map<(d0, d1) -> (0)>
#map2 = affine_map<(d0, d1) -> (0, 0)>
module attributes {stable_mosaic.version = 14 : i64} {
  func.func @_sc_body(%arg0: i32, %arg1: i32, %arg2: memref<20x512x512xf32, #tpu.memory_space<hbm>>, %arg3: memref<65552xi32, #tpu.memory_space<hbm>>, %arg4: memref<32x128xf32, #tpu.memory_space<hbm>>, %arg5: memref<16x512xf32, #tpu.memory_space<vmem>>, %arg6: memref<16x512xf32, #tpu.memory_space<vmem>>, %arg7: memref<32768xi32, #tpu.memory_space<vmem>>, %arg8: memref<65552xi32, #tpu.memory_space<vmem>>, %arg9: memref<128xf32, #tpu.memory_space<vmem>>, %arg10: memref<!tpu.dma_semaphore, #tpu.memory_space<semaphore_mem>>, %arg11: memref<!tpu.dma_semaphore, #tpu.memory_space<semaphore_mem>>) attributes {dimension_semantics = [#tpu.dimension_semantics<core_parallel>, #tpu.dimension_semantics<subcore_parallel>], iteration_bounds = array<i64: 2, 16>, scalar_prefetch = 0 : i64, scratch_operands = 7 : i64, tpu.core_type = #tpu.core_type<sc_vector_subcore>, window_params = [{transform_indices = #map}, {transform_indices = #map1}, {transform_indices = #map2}]} {
    %mul3A = arith.constant 2 : i32
    %mul3A_0 = arith.muli %arg1, %mul3A : i32
    %add3A = arith.addi %mul3A_0, %arg0 : i32
    %lt3A = arith.constant 20 : i32
    %lt3A_1 = arith.cmpi slt, %add3A, %lt3A : i32
    %convert_element_type3A = arith.extui %lt3A_1 : i1 to i32
    %cond3A = arith.constant 0 : i32
    %cond3A_2 = arith.cmpi ne, %convert_element_type3A, %cond3A : i32
    scf.if %cond3A_2 {
      "tpu.region"() ({
        %run_scoped3A = tpu.sem_alloc : memref<!tpu.dma_semaphore, #tpu.memory_space<semaphore_mem>>
        %dma_start3A_101 = arith.constant 0 : i32
        %dma_start3A_102 = tpu.memref_slice %arg3[%dma_start3A_101] : memref<65552xi32, #tpu.memory_space<hbm>> -> memref<32768xi32, #tpu.memory_space<hbm>>
        %dma_start3A_103 = arith.constant 0 : i32
        %dma_start3A_104 = tpu.memref_slice %arg3[%dma_start3A_103] : memref<65552xi32, #tpu.memory_space<hbm>> -> memref<32768xi32, #tpu.memory_space<hbm>>
        tpu.enqueue_dma source(%dma_start3A_104 : memref<32768xi32, #tpu.memory_space<hbm>>) target(%arg7 : memref<32768xi32, #tpu.memory_space<vmem>>) target_semaphore(%run_scoped3A : memref<!tpu.dma_semaphore, #tpu.memory_space<semaphore_mem>>)
        %dma_wait3A = arith.constant 0 : i32
        %dma_wait3A_105 = tpu.memref_slice %arg3[%dma_wait3A] : memref<65552xi32, #tpu.memory_space<hbm>> -> memref<32768xi32, #tpu.memory_space<hbm>>
        %dma_wait3A_106 = arith.constant 0 : i32
        %dma_wait3A_107 = tpu.memref_slice %arg3[%dma_wait3A_106] : memref<65552xi32, #tpu.memory_space<hbm>> -> memref<32768xi32, #tpu.memory_space<hbm>>
        tpu.wait_dma2 semaphore(%run_scoped3A : memref<!tpu.dma_semaphore, #tpu.memory_space<semaphore_mem>>) src(%dma_wait3A_107 : memref<32768xi32, #tpu.memory_space<hbm>>) dst(%arg7 : memref<32768xi32, #tpu.memory_space<vmem>>)
        tpu.yield
      }) : () -> ()
      "tpu.region"() ({
        %run_scoped3A = tpu.sem_alloc : memref<!tpu.dma_semaphore, #tpu.memory_space<semaphore_mem>>
        %dma_start3A_101 = arith.constant 0 : i32
        %dma_start3A_102 = tpu.memref_slice %arg3[%dma_start3A_101] : memref<65552xi32, #tpu.memory_space<hbm>> -> memref<65552xi32, #tpu.memory_space<hbm>>
        %dma_start3A_103 = arith.constant 0 : i32
        %dma_start3A_104 = tpu.memref_slice %arg3[%dma_start3A_103] : memref<65552xi32, #tpu.memory_space<hbm>> -> memref<65552xi32, #tpu.memory_space<hbm>>
        tpu.enqueue_dma source(%dma_start3A_104 : memref<65552xi32, #tpu.memory_space<hbm>>) target(%arg8 : memref<65552xi32, #tpu.memory_space<vmem>>) target_semaphore(%run_scoped3A : memref<!tpu.dma_semaphore, #tpu.memory_space<semaphore_mem>>)
        %dma_wait3A = arith.constant 0 : i32
        %dma_wait3A_105 = tpu.memref_slice %arg3[%dma_wait3A] : memref<65552xi32, #tpu.memory_space<hbm>> -> memref<65552xi32, #tpu.memory_space<hbm>>
        %dma_wait3A_106 = arith.constant 0 : i32
        %dma_wait3A_107 = tpu.memref_slice %arg3[%dma_wait3A_106] : memref<65552xi32, #tpu.memory_space<hbm>> -> memref<65552xi32, #tpu.memory_space<hbm>>
        tpu.wait_dma2 semaphore(%run_scoped3A : memref<!tpu.dma_semaphore, #tpu.memory_space<semaphore_mem>>) src(%dma_wait3A_107 : memref<65552xi32, #tpu.memory_space<hbm>>) dst(%arg8 : memref<65552xi32, #tpu.memory_space<vmem>>)
        tpu.yield
      }) : () -> ()
      %iota3A = tpu.iota {dimensions = array<i32: 0>} : vector<16xi32>
      %dma_start3A = arith.constant 0 : i32
      %dma_start3A_3 = arith.constant 0 : i32
      %dma_start3A_4 = tpu.memref_slice %arg2[%add3A, %dma_start3A, %dma_start3A_3] : memref<20x512x512xf32, #tpu.memory_space<hbm>> -> memref<1x16x512xf32, #tpu.memory_space<hbm>>
      %dma_start3A_5 = tpu.memref_squeeze %dma_start3A_4 : memref<1x16x512xf32, #tpu.memory_space<hbm>> -> memref<16x512xf32, #tpu.memory_space<hbm>>
      %dma_start3A_6 = arith.constant 0 : i32
      %dma_start3A_7 = arith.constant 0 : i32
      %dma_start3A_8 = tpu.memref_slice %arg2[%add3A, %dma_start3A_6, %dma_start3A_7] : memref<20x512x512xf32, #tpu.memory_space<hbm>> -> memref<1x16x512xf32, #tpu.memory_space<hbm>>
      %dma_start3A_9 = tpu.memref_squeeze %dma_start3A_8 : memref<1x16x512xf32, #tpu.memory_space<hbm>> -> memref<16x512xf32, #tpu.memory_space<hbm>>
      tpu.enqueue_dma source(%dma_start3A_9 : memref<16x512xf32, #tpu.memory_space<hbm>>) target(%arg5 : memref<16x512xf32, #tpu.memory_space<vmem>>) target_semaphore(%arg10 : memref<!tpu.dma_semaphore, #tpu.memory_space<semaphore_mem>>)
      %dma_start3A_10 = arith.constant 16 : i32
      %dma_start3A_11 = arith.constant 0 : i32
      %dma_start3A_12 = tpu.memref_slice %arg2[%add3A, %dma_start3A_10, %dma_start3A_11] : memref<20x512x512xf32, #tpu.memory_space<hbm>> -> memref<1x16x512xf32, #tpu.memory_space<hbm>>
      %dma_start3A_13 = tpu.memref_squeeze %dma_start3A_12 : memref<1x16x512xf32, #tpu.memory_space<hbm>> -> memref<16x512xf32, #tpu.memory_space<hbm>>
      %dma_start3A_14 = arith.constant 16 : i32
      %dma_start3A_15 = arith.constant 0 : i32
      %dma_start3A_16 = tpu.memref_slice %arg2[%add3A, %dma_start3A_14, %dma_start3A_15] : memref<20x512x512xf32, #tpu.memory_space<hbm>> -> memref<1x16x512xf32, #tpu.memory_space<hbm>>
      %dma_start3A_17 = tpu.memref_squeeze %dma_start3A_16 : memref<1x16x512xf32, #tpu.memory_space<hbm>> -> memref<16x512xf32, #tpu.memory_space<hbm>>
      tpu.enqueue_dma source(%dma_start3A_17 : memref<16x512xf32, #tpu.memory_space<hbm>>) target(%arg6 : memref<16x512xf32, #tpu.memory_space<vmem>>) target_semaphore(%arg11 : memref<!tpu.dma_semaphore, #tpu.memory_space<semaphore_mem>>)
      %scan3A = arith.constant 0 : i32
      %scan3A_18 = arith.constant 0 : i32
      %scan3A_19 = arith.constant 16 : i32
      %scan3A_20 = arith.addi %scan3A_18, %scan3A_19 : i32
      %scan3A_21 = arith.constant 1 : i32
      %scan3A_22 = scf.for %scan3A_101 = %scan3A_18 to %scan3A_20 step %scan3A_21 iter_args(%scan3A_102 = %scan3A) -> (i32)  : i32 {
        %mul3A_103 = arith.constant 2 : i32
        %mul3A_104 = arith.muli %mul3A_103, %scan3A_101 : i32
        %add3A_105 = arith.constant 0 : i32
        %add3A_106 = arith.addi %mul3A_104, %add3A_105 : i32
        %mul3A_107 = arith.constant 16 : i32
        %mul3A_108 = arith.muli %add3A_106, %mul3A_107 : i32
        %dma_wait3A = arith.constant 0 : i32
        %dma_wait3A_109 = tpu.memref_slice %arg2[%add3A, %mul3A_108, %dma_wait3A] : memref<20x512x512xf32, #tpu.memory_space<hbm>> -> memref<1x16x512xf32, #tpu.memory_space<hbm>>
        %dma_wait3A_110 = tpu.memref_squeeze %dma_wait3A_109 : memref<1x16x512xf32, #tpu.memory_space<hbm>> -> memref<16x512xf32, #tpu.memory_space<hbm>>
        %dma_wait3A_111 = arith.constant 0 : i32
        %dma_wait3A_112 = tpu.memref_slice %arg2[%add3A, %mul3A_108, %dma_wait3A_111] : memref<20x512x512xf32, #tpu.memory_space<hbm>> -> memref<1x16x512xf32, #tpu.memory_space<hbm>>
        %dma_wait3A_113 = tpu.memref_squeeze %dma_wait3A_112 : memref<1x16x512xf32, #tpu.memory_space<hbm>> -> memref<16x512xf32, #tpu.memory_space<hbm>>
        tpu.wait_dma2 semaphore(%arg10 : memref<!tpu.dma_semaphore, #tpu.memory_space<semaphore_mem>>) src(%dma_wait3A_113 : memref<16x512xf32, #tpu.memory_space<hbm>>) dst(%arg5 : memref<16x512xf32, #tpu.memory_space<vmem>>)
        %parallel_loop3A = arith.constant 0 : i32
        %parallel_loop3A_114 = arith.constant 512 : i32
        %parallel_loop3A_115 = arith.constant 2 : i32
        scf.for %parallel_loop3A_146 = %parallel_loop3A to %parallel_loop3A_114 step %parallel_loop3A_115  : i32 {
          %parallel_loop3A_147 = arith.constant 0 : i32
          %parallel_loop3A_148 = arith.addi %parallel_loop3A_146, %parallel_loop3A_147 : i32
          %parallel_loop3A_149 = arith.constant 5 : i32
          %parallel_loop3A_150 = arith.shrsi %parallel_loop3A_148, %parallel_loop3A_149 : i32
          %parallel_loop3A_151 = arith.constant 31 : i32
          %parallel_loop3A_152 = arith.andi %parallel_loop3A_148, %parallel_loop3A_151 : i32
          %parallel_loop3A_153 = arith.constant 16 : i32
          %parallel_loop3A_154 = arith.muli %parallel_loop3A_152, %parallel_loop3A_153 : i32
          %parallel_loop3A_155 = arith.index_cast %parallel_loop3A_150 : i32 to index
          %parallel_loop3A_156 = arith.index_cast %parallel_loop3A_154 : i32 to index
          %parallel_loop3A_157 = tpu.vector_load %arg5[%parallel_loop3A_155, %parallel_loop3A_156] {strides = array<i32>} : memref<16x512xf32, #tpu.memory_space<vmem>>, vector<16xf32>,
          %parallel_loop3A_158 = vector.bitcast %parallel_loop3A_157 : vector<16xf32> to vector<16xi32>
          %parallel_loop3A_159 = arith.constant 16 : i32
          %parallel_loop3A_160 = vector.broadcast %parallel_loop3A_159 : i32 to vector<16xi32>
          %parallel_loop3A_161 = arith.shrui %parallel_loop3A_158, %parallel_loop3A_160 : vector<16xi32>
          %parallel_loop3A_162 = arith.constant true
          %parallel_loop3A_163 = vector.broadcast %parallel_loop3A_162 : i1 to vector<16xi1>
          %parallel_loop3A_164, %parallel_loop3A_165 = tpu.scan_count mask(%parallel_loop3A_163 : vector<16xi1>) value(%parallel_loop3A_161 : vector<16xi32>) : vector<16xi1>, vector<16xi32>
          %parallel_loop3A_166 = arith.constant 0 : i32
          %parallel_loop3A_167 = vector.broadcast %parallel_loop3A_166 : i32 to vector<16xi32>
          %parallel_loop3A_168 = arith.addi %parallel_loop3A_161, %parallel_loop3A_167 : vector<16xi32>
          tpu.vector_store_idx %arg7[%parallel_loop3A_168], %parallel_loop3A_165 masked %parallel_loop3A_164 {add = true} : memref<32768xi32, #tpu.memory_space<vmem>>[vector<16xi32>], vector<16xi32>, vector<16xi1>
          %parallel_loop3A_169 = arith.constant 1 : i32
          %parallel_loop3A_170 = arith.addi %parallel_loop3A_146, %parallel_loop3A_169 : i32
          %parallel_loop3A_171 = arith.constant 5 : i32
          %parallel_loop3A_172 = arith.shrsi %parallel_loop3A_170, %parallel_loop3A_171 : i32
          %parallel_loop3A_173 = arith.constant 31 : i32
          %parallel_loop3A_174 = arith.andi %parallel_loop3A_170, %parallel_loop3A_173 : i32
          %parallel_loop3A_175 = arith.constant 16 : i32
          %parallel_loop3A_176 = arith.muli %parallel_loop3A_174, %parallel_loop3A_175 : i32
          %parallel_loop3A_177 = arith.index_cast %parallel_loop3A_172 : i32 to index
          %parallel_loop3A_178 = arith.index_cast %parallel_loop3A_176 : i32 to index
          %parallel_loop3A_179 = tpu.vector_load %arg5[%parallel_loop3A_177, %parallel_loop3A_178] {strides = array<i32>} : memref<16x512xf32, #tpu.memory_space<vmem>>, vector<16xf32>,
          %parallel_loop3A_180 = vector.bitcast %parallel_loop3A_179 : vector<16xf32> to vector<16xi32>
          %parallel_loop3A_181 = arith.constant 16 : i32
          %parallel_loop3A_182 = vector.broadcast %parallel_loop3A_181 : i32 to vector<16xi32>
          %parallel_loop3A_183 = arith.shrui %parallel_loop3A_180, %parallel_loop3A_182 : vector<16xi32>
          %parallel_loop3A_184 = arith.constant true
          %parallel_loop3A_185 = vector.broadcast %parallel_loop3A_184 : i1 to vector<16xi1>
          %parallel_loop3A_186, %parallel_loop3A_187 = tpu.scan_count mask(%parallel_loop3A_185 : vector<16xi1>) value(%parallel_loop3A_183 : vector<16xi32>) : vector<16xi1>, vector<16xi32>
          %parallel_loop3A_188 = arith.constant 16384 : i32
          %parallel_loop3A_189 = vector.broadcast %parallel_loop3A_188 : i32 to vector<16xi32>
          %parallel_loop3A_190 = arith.addi %parallel_loop3A_183, %parallel_loop3A_189 : vector<16xi32>
          tpu.vector_store_idx %arg7[%parallel_loop3A_190], %parallel_loop3A_187 masked %parallel_loop3A_186 {add = true} : memref<32768xi32, #tpu.memory_space<vmem>>[vector<16xi32>], vector<16xi32>, vector<16xi1>
        } {sc.loop_unroll_factor = 4 : i64, sc.parallel_access}
        %add3A_116 = arith.constant 2 : i32
        %add3A_117 = arith.addi %add3A_106, %add3A_116 : i32
        %lt3A_118 = arith.constant 32 : i32
        %lt3A_119 = arith.cmpi slt, %add3A_117, %lt3A_118 : i32
        %convert_element_type3A_120 = arith.extui %lt3A_119 : i1 to i32
        %cond3A_121 = arith.constant 0 : i32
        %cond3A_122 = arith.cmpi ne, %convert_element_type3A_120, %cond3A_121 : i32
        scf.if %cond3A_122 {
          %add3A_146 = arith.constant 2 : i32
          %add3A_147 = arith.addi %add3A_106, %add3A_146 : i32
          %mul3A_148 = arith.constant 16 : i32
          %mul3A_149 = arith.muli %add3A_147, %mul3A_148 : i32
          %dma_start3A_150 = arith.constant 0 : i32
          %dma_start3A_151 = tpu.memref_slice %arg2[%add3A, %mul3A_149, %dma_start3A_150] : memref<20x512x512xf32, #tpu.memory_space<hbm>> -> memref<1x16x512xf32, #tpu.memory_space<hbm>>
          %dma_start3A_152 = tpu.memref_squeeze %dma_start3A_151 : memref<1x16x512xf32, #tpu.memory_space<hbm>> -> memref<16x512xf32, #tpu.memory_space<hbm>>
          %dma_start3A_153 = arith.constant 0 : i32
          %dma_start3A_154 = tpu.memref_slice %arg2[%add3A, %mul3A_149, %dma_start3A_153] : memref<20x512x512xf32, #tpu.memory_space<hbm>> -> memref<1x16x512xf32, #tpu.memory_space<hbm>>
          %dma_start3A_155 = tpu.memref_squeeze %dma_start3A_154 : memref<1x16x512xf32, #tpu.memory_space<hbm>> -> memref<16x512xf32, #tpu.memory_space<hbm>>
          tpu.enqueue_dma source(%dma_start3A_155 : memref<16x512xf32, #tpu.memory_space<hbm>>) target(%arg5 : memref<16x512xf32, #tpu.memory_space<vmem>>) target_semaphore(%arg10 : memref<!tpu.dma_semaphore, #tpu.memory_space<semaphore_mem>>)
        } else {
        }
        %mul3A_123 = arith.constant 2 : i32
        %mul3A_124 = arith.muli %mul3A_123, %scan3A_101 : i32
        %add3A_125 = arith.constant 1 : i32
        %add3A_126 = arith.addi %mul3A_124, %add3A_125 : i32
        %mul3A_127 = arith.constant 16 : i32
        %mul3A_128 = arith.muli %add3A_126, %mul3A_127 : i32
        %dma_wait3A_129 = arith.constant 0 : i32
        %dma_wait3A_130 = tpu.memref_slice %arg2[%add3A, %mul3A_128, %dma_wait3A_129] : memref<20x512x512xf32, #tpu.memory_space<hbm>> -> memref<1x16x512xf32, #tpu.memory_space<hbm>>
        %dma_wait3A_131 = tpu.memref_squeeze %dma_wait3A_130 : memref<1x16x512xf32, #tpu.memory_space<hbm>> -> memref<16x512xf32, #tpu.memory_space<hbm>>
        %dma_wait3A_132 = arith.constant 0 : i32
        %dma_wait3A_133 = tpu.memref_slice %arg2[%add3A, %mul3A_128, %dma_wait3A_132] : memref<20x512x512xf32, #tpu.memory_space<hbm>> -> memref<1x16x512xf32, #tpu.memory_space<hbm>>
        %dma_wait3A_134 = tpu.memref_squeeze %dma_wait3A_133 : memref<1x16x512xf32, #tpu.memory_space<hbm>> -> memref<16x512xf32, #tpu.memory_space<hbm>>
        tpu.wait_dma2 semaphore(%arg11 : memref<!tpu.dma_semaphore, #tpu.memory_space<semaphore_mem>>) src(%dma_wait3A_134 : memref<16x512xf32, #tpu.memory_space<hbm>>) dst(%arg6 : memref<16x512xf32, #tpu.memory_space<vmem>>)
        %parallel_loop3A_135 = arith.constant 0 : i32
        %parallel_loop3A_136 = arith.constant 512 : i32
        %parallel_loop3A_137 = arith.constant 2 : i32
        scf.for %parallel_loop3A_146 = %parallel_loop3A_135 to %parallel_loop3A_136 step %parallel_loop3A_137  : i32 {
          %parallel_loop3A_147 = arith.constant 0 : i32
          %parallel_loop3A_148 = arith.addi %parallel_loop3A_146, %parallel_loop3A_147 : i32
          %parallel_loop3A_149 = arith.constant 5 : i32
          %parallel_loop3A_150 = arith.shrsi %parallel_loop3A_148, %parallel_loop3A_149 : i32
          %parallel_loop3A_151 = arith.constant 31 : i32
          %parallel_loop3A_152 = arith.andi %parallel_loop3A_148, %parallel_loop3A_151 : i32
          %parallel_loop3A_153 = arith.constant 16 : i32
          %parallel_loop3A_154 = arith.muli %parallel_loop3A_152, %parallel_loop3A_153 : i32
          %parallel_loop3A_155 = arith.index_cast %parallel_loop3A_150 : i32 to index
          %parallel_loop3A_156 = arith.index_cast %parallel_loop3A_154 : i32 to index
          %parallel_loop3A_157 = tpu.vector_load %arg6[%parallel_loop3A_155, %parallel_loop3A_156] {strides = array<i32>} : memref<16x512xf32, #tpu.memory_space<vmem>>, vector<16xf32>,
          %parallel_loop3A_158 = vector.bitcast %parallel_loop3A_157 : vector<16xf32> to vector<16xi32>
          %parallel_loop3A_159 = arith.constant 16 : i32
          %parallel_loop3A_160 = vector.broadcast %parallel_loop3A_159 : i32 to vector<16xi32>
          %parallel_loop3A_161 = arith.shrui %parallel_loop3A_158, %parallel_loop3A_160 : vector<16xi32>
          %parallel_loop3A_162 = arith.constant true
          %parallel_loop3A_163 = vector.broadcast %parallel_loop3A_162 : i1 to vector<16xi1>
          %parallel_loop3A_164, %parallel_loop3A_165 = tpu.scan_count mask(%parallel_loop3A_163 : vector<16xi1>) value(%parallel_loop3A_161 : vector<16xi32>) : vector<16xi1>, vector<16xi32>
          %parallel_loop3A_166 = arith.constant 0 : i32
          %parallel_loop3A_167 = vector.broadcast %parallel_loop3A_166 : i32 to vector<16xi32>
          %parallel_loop3A_168 = arith.addi %parallel_loop3A_161, %parallel_loop3A_167 : vector<16xi32>
          tpu.vector_store_idx %arg7[%parallel_loop3A_168], %parallel_loop3A_165 masked %parallel_loop3A_164 {add = true} : memref<32768xi32, #tpu.memory_space<vmem>>[vector<16xi32>], vector<16xi32>, vector<16xi1>
          %parallel_loop3A_169 = arith.constant 1 : i32
          %parallel_loop3A_170 = arith.addi %parallel_loop3A_146, %parallel_loop3A_169 : i32
          %parallel_loop3A_171 = arith.constant 5 : i32
          %parallel_loop3A_172 = arith.shrsi %parallel_loop3A_170, %parallel_loop3A_171 : i32
          %parallel_loop3A_173 = arith.constant 31 : i32
          %parallel_loop3A_174 = arith.andi %parallel_loop3A_170, %parallel_loop3A_173 : i32
          %parallel_loop3A_175 = arith.constant 16 : i32
          %parallel_loop3A_176 = arith.muli %parallel_loop3A_174, %parallel_loop3A_175 : i32
          %parallel_loop3A_177 = arith.index_cast %parallel_loop3A_172 : i32 to index
          %parallel_loop3A_178 = arith.index_cast %parallel_loop3A_176 : i32 to index
          %parallel_loop3A_179 = tpu.vector_load %arg6[%parallel_loop3A_177, %parallel_loop3A_178] {strides = array<i32>} : memref<16x512xf32, #tpu.memory_space<vmem>>, vector<16xf32>,
          %parallel_loop3A_180 = vector.bitcast %parallel_loop3A_179 : vector<16xf32> to vector<16xi32>
          %parallel_loop3A_181 = arith.constant 16 : i32
          %parallel_loop3A_182 = vector.broadcast %parallel_loop3A_181 : i32 to vector<16xi32>
          %parallel_loop3A_183 = arith.shrui %parallel_loop3A_180, %parallel_loop3A_182 : vector<16xi32>
          %parallel_loop3A_184 = arith.constant true
          %parallel_loop3A_185 = vector.broadcast %parallel_loop3A_184 : i1 to vector<16xi1>
          %parallel_loop3A_186, %parallel_loop3A_187 = tpu.scan_count mask(%parallel_loop3A_185 : vector<16xi1>) value(%parallel_loop3A_183 : vector<16xi32>) : vector<16xi1>, vector<16xi32>
          %parallel_loop3A_188 = arith.constant 16384 : i32
          %parallel_loop3A_189 = vector.broadcast %parallel_loop3A_188 : i32 to vector<16xi32>
          %parallel_loop3A_190 = arith.addi %parallel_loop3A_183, %parallel_loop3A_189 : vector<16xi32>
          tpu.vector_store_idx %arg7[%parallel_loop3A_190], %parallel_loop3A_187 masked %parallel_loop3A_186 {add = true} : memref<32768xi32, #tpu.memory_space<vmem>>[vector<16xi32>], vector<16xi32>, vector<16xi1>
        } {sc.loop_unroll_factor = 4 : i64, sc.parallel_access}
        %add3A_138 = arith.constant 2 : i32
        %add3A_139 = arith.addi %add3A_126, %add3A_138 : i32
        %lt3A_140 = arith.constant 32 : i32
        %lt3A_141 = arith.cmpi slt, %add3A_139, %lt3A_140 : i32
        %convert_element_type3A_142 = arith.extui %lt3A_141 : i1 to i32
        %cond3A_143 = arith.constant 0 : i32
        %cond3A_144 = arith.cmpi ne, %convert_element_type3A_142, %cond3A_143 : i32
        scf.if %cond3A_144 {
          %add3A_146 = arith.constant 2 : i32
          %add3A_147 = arith.addi %add3A_126, %add3A_146 : i32
          %mul3A_148 = arith.constant 16 : i32
          %mul3A_149 = arith.muli %add3A_147, %mul3A_148 : i32
          %dma_start3A_150 = arith.constant 0 : i32
          %dma_start3A_151 = tpu.memref_slice %arg2[%add3A, %mul3A_149, %dma_start3A_150] : memref<20x512x512xf32, #tpu.memory_space<hbm>> -> memref<1x16x512xf32, #tpu.memory_space<hbm>>
          %dma_start3A_152 = tpu.memref_squeeze %dma_start3A_151 : memref<1x16x512xf32, #tpu.memory_space<hbm>> -> memref<16x512xf32, #tpu.memory_space<hbm>>
          %dma_start3A_153 = arith.constant 0 : i32
          %dma_start3A_154 = tpu.memref_slice %arg2[%add3A, %mul3A_149, %dma_start3A_153] : memref<20x512x512xf32, #tpu.memory_space<hbm>> -> memref<1x16x512xf32, #tpu.memory_space<hbm>>
          %dma_start3A_155 = tpu.memref_squeeze %dma_start3A_154 : memref<1x16x512xf32, #tpu.memory_space<hbm>> -> memref<16x512xf32, #tpu.memory_space<hbm>>
          tpu.enqueue_dma source(%dma_start3A_155 : memref<16x512xf32, #tpu.memory_space<hbm>>) target(%arg6 : memref<16x512xf32, #tpu.memory_space<vmem>>) target_semaphore(%arg11 : memref<!tpu.dma_semaphore, #tpu.memory_space<semaphore_mem>>)
        } else {
        }
        %scan3A_145 = arith.constant 0 : i32
        scf.yield %scan3A_145 : i32
      }
      %scan3A_23 = arith.constant 16 : i32
      %scan3A_24 = arith.constant 131072 : i32
      %scan3A_25 = arith.constant 0 : i32
      %scan3A_26 = arith.constant -1 : i32
      %scan3A_27 = arith.constant 0 : i32
      %scan3A_28 = arith.constant 0 : i32
      %scan3A_29 = arith.constant 256 : i32
      %scan3A_30 = arith.addi %scan3A_28, %scan3A_29 : i32
      %scan3A_31 = arith.constant 1 : i32
      %scan3A_32:3 = scf.for %scan3A_101 = %scan3A_28 to %scan3A_30 step %scan3A_31 iter_args(%scan3A_102 = %scan3A_25, %scan3A_103 = %scan3A_26, %scan3A_104 = %scan3A_27) -> (i32, i32, i32)  : i32 {
        %add3A_105 = arith.constant 1 : i32
        %add3A_106 = arith.addi %scan3A_101, %add3A_105 : i32
        %mul3A_107 = arith.constant 64 : i32
        %mul3A_108 = arith.muli %mul3A_107, %add3A_106 : i32
        %sub3A_109 = arith.constant 16384 : i32
        %sub3A_110 = arith.subi %sub3A_109, %mul3A_108 : i32
        %add3A_111 = arith.constant 0 : i32
        %add3A_112 = arith.addi %sub3A_110, %add3A_111 : i32
        %get3A = arith.index_cast %add3A_112 : i32 to index
        %get3A_113 = tpu.vector_load %arg7[%get3A] {strides = array<i32>} : memref<32768xi32, #tpu.memory_space<vmem>>, vector<16xi32>,
        %add3A_114 = arith.constant 16384 : i32
        %add3A_115 = arith.addi %add3A_112, %add3A_114 : i32
        %get3A_116 = arith.index_cast %add3A_115 : i32 to index
        %get3A_117 = tpu.vector_load %arg7[%get3A_116] {strides = array<i32>} : memref<32768xi32, #tpu.memory_space<vmem>>, vector<16xi32>,
        %add3A_118 = arith.addi %get3A_113, %get3A_117 : vector<16xi32>
        %reduce_sum3A = arith.constant true
        %reduce_sum3A_119 = vector.broadcast %reduce_sum3A : i1 to vector<16xi1>
        %reduce_sum3A_120 = tpu.scan <sum>, %add3A_118 masked %reduce_sum3A_119 : vector<16xi32>, vector<16xi1> -> vector<16xi32>
        %reduce_sum3A_121 = vector.extract %reduce_sum3A_120[15] : i32 from vector<16xi32>
        %add3A_122 = arith.constant 0 : i32
        %add3A_123 = arith.addi %add3A_122, %reduce_sum3A_121 : i32
        %add3A_124 = arith.constant 16 : i32
        %add3A_125 = arith.addi %sub3A_110, %add3A_124 : i32
        %get3A_126 = arith.index_cast %add3A_125 : i32 to index
        %get3A_127 = tpu.vector_load %arg7[%get3A_126] {strides = array<i32>} : memref<32768xi32, #tpu.memory_space<vmem>>, vector<16xi32>,
        %add3A_128 = arith.constant 16384 : i32
        %add3A_129 = arith.addi %add3A_125, %add3A_128 : i32
        %get3A_130 = arith.index_cast %add3A_129 : i32 to index
        %get3A_131 = tpu.vector_load %arg7[%get3A_130] {strides = array<i32>} : memref<32768xi32, #tpu.memory_space<vmem>>, vector<16xi32>,
        %add3A_132 = arith.addi %get3A_127, %get3A_131 : vector<16xi32>
        %reduce_sum3A_133 = arith.constant true
        %reduce_sum3A_134 = vector.broadcast %reduce_sum3A_133 : i1 to vector<16xi1>
        %reduce_sum3A_135 = tpu.scan <sum>, %add3A_132 masked %reduce_sum3A_134 : vector<16xi32>, vector<16xi1> -> vector<16xi32>
        %reduce_sum3A_136 = vector.extract %reduce_sum3A_135[15] : i32 from vector<16xi32>
        %add3A_137 = arith.addi %add3A_123, %reduce_sum3A_136 : i32
        %add3A_138 = arith.constant 32 : i32
        %add3A_139 = arith.addi %sub3A_110, %add3A_138 : i32
        %get3A_140 = arith.index_cast %add3A_139 : i32 to index
        %get3A_141 = tpu.vector_load %arg7[%get3A_140] {strides = array<i32>} : memref<32768xi32, #tpu.memory_space<vmem>>, vector<16xi32>,
        %add3A_142 = arith.constant 16384 : i32
        %add3A_143 = arith.addi %add3A_139, %add3A_142 : i32
        %get3A_144 = arith.index_cast %add3A_143 : i32 to index
        %get3A_145 = tpu.vector_load %arg7[%get3A_144] {strides = array<i32>} : memref<32768xi32, #tpu.memory_space<vmem>>, vector<16xi32>,
        %add3A_146 = arith.addi %get3A_141, %get3A_145 : vector<16xi32>
        %reduce_sum3A_147 = arith.constant true
        %reduce_sum3A_148 = vector.broadcast %reduce_sum3A_147 : i1 to vector<16xi1>
        %reduce_sum3A_149 = tpu.scan <sum>, %add3A_146 masked %reduce_sum3A_148 : vector<16xi32>, vector<16xi1> -> vector<16xi32>
        %reduce_sum3A_150 = vector.extract %reduce_sum3A_149[15] : i32 from vector<16xi32>
        %add3A_151 = arith.addi %add3A_137, %reduce_sum3A_150 : i32
        %add3A_152 = arith.constant 48 : i32
        %add3A_153 = arith.addi %sub3A_110, %add3A_152 : i32
        %get3A_154 = arith.index_cast %add3A_153 : i32 to index
        %get3A_155 = tpu.vector_load %arg7[%get3A_154] {strides = array<i32>} : memref<32768xi32, #tpu.memory_space<vmem>>, vector<16xi32>,
        %add3A_156 = arith.constant 16384 : i32
        %add3A_157 = arith.addi %add3A_153, %add3A_156 : i32
        %get3A_158 = arith.index_cast %add3A_157 : i32 to index
        %get3A_159 = tpu.vector_load %arg7[%get3A_158] {strides = array<i32>} : memref<32768xi32, #tpu.memory_space<vmem>>, vector<16xi32>,
        %add3A_160 = arith.addi %get3A_155, %get3A_159 : vector<16xi32>
        %reduce_sum3A_161 = arith.constant true
        %reduce_sum3A_162 = vector.broadcast %reduce_sum3A_161 : i1 to vector<16xi1>
        %reduce_sum3A_163 = tpu.scan <sum>, %add3A_160 masked %reduce_sum3A_162 : vector<16xi32>, vector<16xi1> -> vector<16xi32>
        %reduce_sum3A_164 = vector.extract %reduce_sum3A_163[15] : i32 from vector<16xi32>
        %add3A_165 = arith.addi %add3A_151, %reduce_sum3A_164 : i32
        %add3A_166 = arith.addi %scan3A_102, %add3A_165 : i32
        %lt3A_167 = arith.constant 0 : i32
        %lt3A_168 = arith.cmpi slt, %scan3A_103, %lt3A_167 : i32
        %ge3A = arith.cmpi sge, %add3A_166, %scan3A_24 : i32
        %and3A = arith.andi %lt3A_168, %ge3A : i1
        %select_n3A_169 = arith.select %and3A, %scan3A_101, %scan3A_103 : i32
        %select_n3A_170 = arith.select %and3A, %scan3A_102, %scan3A_104 : i32
        scf.yield %add3A_166, %select_n3A_169, %select_n3A_170 : i32, i32, i32
      }
      %scan3A_33 = arith.constant 256 : i32
      %scan3A_34 = arith.constant 131072 : i32
      %scan3A_35 = arith.constant -1 : i32
      %scan3A_36 = arith.constant 0 : i32
      %scan3A_37 = arith.constant 0 : i32
      %scan3A_38 = arith.constant 0 : i32
      %scan3A_39 = arith.constant 4 : i32
      %scan3A_40 = arith.addi %scan3A_38, %scan3A_39 : i32
      %scan3A_41 = arith.constant 1 : i32
      %scan3A_42:4 = scf.for %scan3A_101 = %scan3A_38 to %scan3A_40 step %scan3A_41 iter_args(%scan3A_102 = %scan3A_32#2, %scan3A_103 = %scan3A_35, %scan3A_104 = %scan3A_36, %scan3A_105 = %scan3A_37) -> (i32, i32, i32, i32)  : i32 {
        %add3A_106 = arith.constant 1 : i32
        %add3A_107 = arith.addi %scan3A_32#1, %add3A_106 : i32
        %mul3A_108 = arith.constant 64 : i32
        %mul3A_109 = arith.muli %mul3A_108, %add3A_107 : i32
        %sub3A_110 = arith.constant 16384 : i32
        %sub3A_111 = arith.subi %sub3A_110, %mul3A_109 : i32
        %sub3A_112 = arith.constant 3 : i32
        %sub3A_113 = arith.subi %sub3A_112, %scan3A_101 : i32
        %mul3A_114 = arith.constant 16 : i32
        %mul3A_115 = arith.muli %sub3A_113, %mul3A_114 : i32
        %add3A_116 = arith.addi %sub3A_111, %mul3A_115 : i32
        %get3A = arith.index_cast %add3A_116 : i32 to index
        %get3A_117 = tpu.vector_load %arg7[%get3A] {strides = array<i32>} : memref<32768xi32, #tpu.memory_space<vmem>>, vector<16xi32>,
        %add3A_118 = arith.constant 16384 : i32
        %add3A_119 = arith.addi %add3A_116, %add3A_118 : i32
        %get3A_120 = arith.index_cast %add3A_119 : i32 to index
        %get3A_121 = tpu.vector_load %arg7[%get3A_120] {strides = array<i32>} : memref<32768xi32, #tpu.memory_space<vmem>>, vector<16xi32>,
        %add3A_122 = arith.addi %get3A_117, %get3A_121 : vector<16xi32>
        %rev3A = arith.constant 15 : i32
        %rev3A_123 = vector.broadcast %rev3A : i32 to vector<16xi32>
        %rev3A_124 = tpu.iota {dimensions = array<i32: 0>} : vector<16xi32>
        %rev3A_125 = arith.subi %rev3A_123, %rev3A_124 : vector<16xi32>
        %rev3A_126 = tpu.dynamic_gather %add3A_122[%rev3A_125] in [0] : vector<16xi32>, vector<16xi32> -> vector<16xi32>
        %broadcast_in_dim3A_127 = arith.constant true
        %broadcast_in_dim3A_128 = vector.broadcast %broadcast_in_dim3A_127 : i1 to vector<16xi1>
        %masked_cumsum3A = tpu.scan <sum>, %rev3A_126 masked %broadcast_in_dim3A_128 : vector<16xi32>, vector<16xi1> -> vector<16xi32>
        %add3A_129 = vector.broadcast %scan3A_102 : i32 to vector<16xi32>
        %add3A_130 = arith.addi %add3A_129, %masked_cumsum3A : vector<16xi32>
        %ge3A = vector.broadcast %scan3A_34 : i32 to vector<16xi32>
        %ge3A_131 = arith.cmpi sge, %add3A_130, %ge3A : vector<16xi32>
        %jit3A_132 = arith.constant 1 : i32
        %jit3A_133 = arith.constant 0 : i32
        %broadcast_in_dim3A_134 = vector.broadcast %jit3A_132 : i32 to vector<16xi32>
        %broadcast_in_dim3A_135 = vector.broadcast %jit3A_133 : i32 to vector<16xi32>
        %select_n3A_136 = arith.select %ge3A_131, %broadcast_in_dim3A_134, %broadcast_in_dim3A_135 : vector<16xi1>, vector<16xi32>
        %reduce_sum3A = arith.constant true
        %reduce_sum3A_137 = vector.broadcast %reduce_sum3A : i1 to vector<16xi1>
        %reduce_sum3A_138 = tpu.scan <sum>, %select_n3A_136 masked %reduce_sum3A_137 : vector<16xi32>, vector<16xi1> -> vector<16xi32>
        %reduce_sum3A_139 = vector.extract %reduce_sum3A_138[15] : i32 from vector<16xi32>
        %sub3A_140 = arith.constant 16 : i32
        %sub3A_141 = arith.subi %sub3A_140, %reduce_sum3A_139 : i32
        %eq3A_142 = vector.broadcast %sub3A_141 : i32 to vector<16xi32>
        %eq3A_143 = arith.cmpi eq, %iota3A, %eq3A_142 : vector<16xi32>
        %jit3A_144 = arith.constant 0 : i32
        %broadcast_in_dim3A_145 = vector.broadcast %jit3A_144 : i32 to vector<16xi32>
        %select_n3A_146 = arith.select %eq3A_143, %masked_cumsum3A, %broadcast_in_dim3A_145 : vector<16xi1>, vector<16xi32>
        %reduce_sum3A_147 = arith.constant true
        %reduce_sum3A_148 = vector.broadcast %reduce_sum3A_147 : i1 to vector<16xi1>
        %reduce_sum3A_149 = tpu.scan <sum>, %select_n3A_146 masked %reduce_sum3A_148 : vector<16xi32>, vector<16xi1> -> vector<16xi32>
        %reduce_sum3A_150 = vector.extract %reduce_sum3A_149[15] : i32 from vector<16xi32>
        %eq3A_151 = vector.broadcast %sub3A_141 : i32 to vector<16xi32>
        %eq3A_152 = arith.cmpi eq, %iota3A, %eq3A_151 : vector<16xi32>
        %jit3A_153 = arith.constant 0 : i32
        %broadcast_in_dim3A_154 = vector.broadcast %jit3A_153 : i32 to vector<16xi32>
        %select_n3A_155 = arith.select %eq3A_152, %rev3A_126, %broadcast_in_dim3A_154 : vector<16xi1>, vector<16xi32>
        %reduce_sum3A_156 = arith.constant true
        %reduce_sum3A_157 = vector.broadcast %reduce_sum3A_156 : i1 to vector<16xi1>
        %reduce_sum3A_158 = tpu.scan <sum>, %select_n3A_155 masked %reduce_sum3A_157 : vector<16xi32>, vector<16xi1> -> vector<16xi32>
        %reduce_sum3A_159 = vector.extract %reduce_sum3A_158[15] : i32 from vector<16xi32>
        %lt3A_160 = arith.constant 0 : i32
        %lt3A_161 = arith.cmpi slt, %scan3A_103, %lt3A_160 : i32
        %gt3A = arith.constant 0 : i32
        %gt3A_162 = arith.cmpi sgt, %reduce_sum3A_139, %gt3A : i32
        %and3A = arith.andi %lt3A_161, %gt3A_162 : i1
        %reduce_sum3A_163 = arith.constant true
        %reduce_sum3A_164 = vector.broadcast %reduce_sum3A_163 : i1 to vector<16xi1>
        %reduce_sum3A_165 = tpu.scan <sum>, %add3A_122 masked %reduce_sum3A_164 : vector<16xi32>, vector<16xi1> -> vector<16xi32>
        %reduce_sum3A_166 = vector.extract %reduce_sum3A_165[15] : i32 from vector<16xi32>
        %add3A_167 = arith.addi %scan3A_102, %reduce_sum3A_166 : i32
        %add3A_168 = arith.constant 15 : i32
        %add3A_169 = arith.addi %add3A_116, %add3A_168 : i32
        %sub3A_170 = arith.subi %add3A_169, %sub3A_141 : i32
        %select_n3A_171 = arith.select %and3A, %sub3A_170, %scan3A_103 : i32
        %add3A_172 = arith.addi %scan3A_102, %reduce_sum3A_150 : i32
        %sub3A_173 = arith.subi %add3A_172, %reduce_sum3A_159 : i32
        %select_n3A_174 = arith.select %and3A, %sub3A_173, %scan3A_104 : i32
        %add3A_175 = arith.addi %scan3A_102, %reduce_sum3A_150 : i32
        %select_n3A_176 = arith.select %and3A, %add3A_175, %scan3A_105 : i32
        scf.yield %add3A_167, %select_n3A_171, %select_n3A_174, %select_n3A_176 : i32, i32, i32, i32
      }
      %scan3A_43 = arith.constant 4 : i32
      %dma_start3A_44 = arith.constant 0 : i32
      %dma_start3A_45 = arith.constant 0 : i32
      %dma_start3A_46 = tpu.memref_slice %arg2[%add3A, %dma_start3A_44, %dma_start3A_45] : memref<20x512x512xf32, #tpu.memory_space<hbm>> -> memref<1x16x512xf32, #tpu.memory_space<hbm>>
      %dma_start3A_47 = tpu.memref_squeeze %dma_start3A_46 : memref<1x16x512xf32, #tpu.memory_space<hbm>> -> memref<16x512xf32, #tpu.memory_space<hbm>>
      %dma_start3A_48 = arith.constant 0 : i32
      %dma_start3A_49 = arith.constant 0 : i32
      %dma_start3A_50 = tpu.memref_slice %arg2[%add3A, %dma_start3A_48, %dma_start3A_49] : memref<20x512x512xf32, #tpu.memory_space<hbm>> -> memref<1x16x512xf32, #tpu.memory_space<hbm>>
      %dma_start3A_51 = tpu.memref_squeeze %dma_start3A_50 : memref<1x16x512xf32, #tpu.memory_space<hbm>> -> memref<16x512xf32, #tpu.memory_space<hbm>>
      tpu.enqueue_dma source(%dma_start3A_51 : memref<16x512xf32, #tpu.memory_space<hbm>>) target(%arg5 : memref<16x512xf32, #tpu.memory_space<vmem>>) target_semaphore(%arg10 : memref<!tpu.dma_semaphore, #tpu.memory_space<semaphore_mem>>)
      %dma_start3A_52 = arith.constant 16 : i32
      %dma_start3A_53 = arith.constant 0 : i32
      %dma_start3A_54 = tpu.memref_slice %arg2[%add3A, %dma_start3A_52, %dma_start3A_53] : memref<20x512x512xf32, #tpu.memory_space<hbm>> -> memref<1x16x512xf32, #tpu.memory_space<hbm>>
      %dma_start3A_55 = tpu.memref_squeeze %dma_start3A_54 : memref<1x16x512xf32, #tpu.memory_space<hbm>> -> memref<16x512xf32, #tpu.memory_space<hbm>>
      %dma_start3A_56 = arith.constant 16 : i32
      %dma_start3A_57 = arith.constant 0 : i32
      %dma_start3A_58 = tpu.memref_slice %arg2[%add3A, %dma_start3A_56, %dma_start3A_57] : memref<20x512x512xf32, #tpu.memory_space<hbm>> -> memref<1x16x512xf32, #tpu.memory_space<hbm>>
      %dma_start3A_59 = tpu.memref_squeeze %dma_start3A_58 : memref<1x16x512xf32, #tpu.memory_space<hbm>> -> memref<16x512xf32, #tpu.memory_space<hbm>>
      tpu.enqueue_dma source(%dma_start3A_59 : memref<16x512xf32, #tpu.memory_space<hbm>>) target(%arg6 : memref<16x512xf32, #tpu.memory_space<vmem>>) target_semaphore(%arg11 : memref<!tpu.dma_semaphore, #tpu.memory_space<semaphore_mem>>)
      %scan3A_60 = arith.constant 0 : i32
      %scan3A_61 = arith.constant 0 : i32
      %scan3A_62 = arith.constant 16 : i32
      %scan3A_63 = arith.addi %scan3A_61, %scan3A_62 : i32
      %scan3A_64 = arith.constant 1 : i32
      %scan3A_65 = scf.for %scan3A_101 = %scan3A_61 to %scan3A_63 step %scan3A_64 iter_args(%scan3A_102 = %scan3A_60) -> (i32)  : i32 {
        %mul3A_103 = arith.constant 2 : i32
        %mul3A_104 = arith.muli %mul3A_103, %scan3A_101 : i32
        %add3A_105 = arith.constant 0 : i32
        %add3A_106 = arith.addi %mul3A_104, %add3A_105 : i32
        %mul3A_107 = arith.constant 16 : i32
        %mul3A_108 = arith.muli %add3A_106, %mul3A_107 : i32
        %dma_wait3A = arith.constant 0 : i32
        %dma_wait3A_109 = tpu.memref_slice %arg2[%add3A, %mul3A_108, %dma_wait3A] : memref<20x512x512xf32, #tpu.memory_space<hbm>> -> memref<1x16x512xf32, #tpu.memory_space<hbm>>
        %dma_wait3A_110 = tpu.memref_squeeze %dma_wait3A_109 : memref<1x16x512xf32, #tpu.memory_space<hbm>> -> memref<16x512xf32, #tpu.memory_space<hbm>>
        %dma_wait3A_111 = arith.constant 0 : i32
        %dma_wait3A_112 = tpu.memref_slice %arg2[%add3A, %mul3A_108, %dma_wait3A_111] : memref<20x512x512xf32, #tpu.memory_space<hbm>> -> memref<1x16x512xf32, #tpu.memory_space<hbm>>
        %dma_wait3A_113 = tpu.memref_squeeze %dma_wait3A_112 : memref<1x16x512xf32, #tpu.memory_space<hbm>> -> memref<16x512xf32, #tpu.memory_space<hbm>>
        tpu.wait_dma2 semaphore(%arg10 : memref<!tpu.dma_semaphore, #tpu.memory_space<semaphore_mem>>) src(%dma_wait3A_113 : memref<16x512xf32, #tpu.memory_space<hbm>>) dst(%arg5 : memref<16x512xf32, #tpu.memory_space<vmem>>)
        %parallel_loop3A = arith.constant 0 : i32
        %parallel_loop3A_114 = arith.constant 512 : i32
        %parallel_loop3A_115 = arith.constant 1 : i32
        scf.for %parallel_loop3A_146 = %parallel_loop3A to %parallel_loop3A_114 step %parallel_loop3A_115  : i32 {
          %parallel_loop3A_147 = arith.constant 5 : i32
          %parallel_loop3A_148 = arith.shrsi %parallel_loop3A_146, %parallel_loop3A_147 : i32
          %parallel_loop3A_149 = arith.constant 31 : i32
          %parallel_loop3A_150 = arith.andi %parallel_loop3A_146, %parallel_loop3A_149 : i32
          %parallel_loop3A_151 = arith.constant 16 : i32
          %parallel_loop3A_152 = arith.muli %parallel_loop3A_150, %parallel_loop3A_151 : i32
          %parallel_loop3A_153 = arith.index_cast %parallel_loop3A_148 : i32 to index
          %parallel_loop3A_154 = arith.index_cast %parallel_loop3A_152 : i32 to index
          %parallel_loop3A_155 = tpu.vector_load %arg5[%parallel_loop3A_153, %parallel_loop3A_154] {strides = array<i32>} : memref<16x512xf32, #tpu.memory_space<vmem>>, vector<16xf32>,
          %parallel_loop3A_156 = vector.bitcast %parallel_loop3A_155 : vector<16xf32> to vector<16xi32>
          %parallel_loop3A_157 = arith.constant 16 : i32
          %parallel_loop3A_158 = vector.broadcast %parallel_loop3A_157 : i32 to vector<16xi32>
          %parallel_loop3A_159 = arith.shrui %parallel_loop3A_156, %parallel_loop3A_158 : vector<16xi32>
          %parallel_loop3A_160 = vector.broadcast %scan3A_42#1 : i32 to vector<16xi32>
          %parallel_loop3A_161 = arith.cmpi eq, %parallel_loop3A_159, %parallel_loop3A_160 : vector<16xi32>
          %parallel_loop3A_162 = arith.constant 65535 : i32
          %parallel_loop3A_163 = vector.broadcast %parallel_loop3A_162 : i32 to vector<16xi32>
          %parallel_loop3A_164 = arith.andi %parallel_loop3A_156, %parallel_loop3A_163 : vector<16xi32>
          %parallel_loop3A_165 = arith.constant 65536 : i32
          %parallel_loop3A_166 = vector.broadcast %parallel_loop3A_165 : i32 to vector<16xi32>
          %parallel_loop3A_167 = arith.select %parallel_loop3A_161, %parallel_loop3A_164, %parallel_loop3A_166 : vector<16xi1>, vector<16xi32>
          %parallel_loop3A_168 = arith.constant true
          %parallel_loop3A_169 = vector.broadcast %parallel_loop3A_168 : i1 to vector<16xi1>
          %parallel_loop3A_170, %parallel_loop3A_171 = tpu.scan_count mask(%parallel_loop3A_169 : vector<16xi1>) value(%parallel_loop3A_167 : vector<16xi32>) : vector<16xi1>, vector<16xi32>
          tpu.vector_store_idx %arg8[%parallel_loop3A_167], %parallel_loop3A_171 masked %parallel_loop3A_170 {add = true} : memref<65552xi32, #tpu.memory_space<vmem>>[vector<16xi32>], vector<16xi32>, vector<16xi1>
        } {sc.loop_unroll_factor = 8 : i64, sc.parallel_access}
        %add3A_116 = arith.constant 2 : i32
        %add3A_117 = arith.addi %add3A_106, %add3A_116 : i32
        %lt3A_118 = arith.constant 32 : i32
        %lt3A_119 = arith.cmpi slt, %add3A_117, %lt3A_118 : i32
        %convert_element_type3A_120 = arith.extui %lt3A_119 : i1 to i32
        %cond3A_121 = arith.constant 0 : i32
        %cond3A_122 = arith.cmpi ne, %convert_element_type3A_120, %cond3A_121 : i32
        scf.if %cond3A_122 {
          %add3A_146 = arith.constant 2 : i32
          %add3A_147 = arith.addi %add3A_106, %add3A_146 : i32
          %mul3A_148 = arith.constant 16 : i32
          %mul3A_149 = arith.muli %add3A_147, %mul3A_148 : i32
          %dma_start3A_150 = arith.constant 0 : i32
          %dma_start3A_151 = tpu.memref_slice %arg2[%add3A, %mul3A_149, %dma_start3A_150] : memref<20x512x512xf32, #tpu.memory_space<hbm>> -> memref<1x16x512xf32, #tpu.memory_space<hbm>>
          %dma_start3A_152 = tpu.memref_squeeze %dma_start3A_151 : memref<1x16x512xf32, #tpu.memory_space<hbm>> -> memref<16x512xf32, #tpu.memory_space<hbm>>
          %dma_start3A_153 = arith.constant 0 : i32
          %dma_start3A_154 = tpu.memref_slice %arg2[%add3A, %mul3A_149, %dma_start3A_153] : memref<20x512x512xf32, #tpu.memory_space<hbm>> -> memref<1x16x512xf32, #tpu.memory_space<hbm>>
          %dma_start3A_155 = tpu.memref_squeeze %dma_start3A_154 : memref<1x16x512xf32, #tpu.memory_space<hbm>> -> memref<16x512xf32, #tpu.memory_space<hbm>>
          tpu.enqueue_dma source(%dma_start3A_155 : memref<16x512xf32, #tpu.memory_space<hbm>>) target(%arg5 : memref<16x512xf32, #tpu.memory_space<vmem>>) target_semaphore(%arg10 : memref<!tpu.dma_semaphore, #tpu.memory_space<semaphore_mem>>)
        } else {
        }
        %mul3A_123 = arith.constant 2 : i32
        %mul3A_124 = arith.muli %mul3A_123, %scan3A_101 : i32
        %add3A_125 = arith.constant 1 : i32
        %add3A_126 = arith.addi %mul3A_124, %add3A_125 : i32
        %mul3A_127 = arith.constant 16 : i32
        %mul3A_128 = arith.muli %add3A_126, %mul3A_127 : i32
        %dma_wait3A_129 = arith.constant 0 : i32
        %dma_wait3A_130 = tpu.memref_slice %arg2[%add3A, %mul3A_128, %dma_wait3A_129] : memref<20x512x512xf32, #tpu.memory_space<hbm>> -> memref<1x16x512xf32, #tpu.memory_space<hbm>>
        %dma_wait3A_131 = tpu.memref_squeeze %dma_wait3A_130 : memref<1x16x512xf32, #tpu.memory_space<hbm>> -> memref<16x512xf32, #tpu.memory_space<hbm>>
        %dma_wait3A_132 = arith.constant 0 : i32
        %dma_wait3A_133 = tpu.memref_slice %arg2[%add3A, %mul3A_128, %dma_wait3A_132] : memref<20x512x512xf32, #tpu.memory_space<hbm>> -> memref<1x16x512xf32, #tpu.memory_space<hbm>>
        %dma_wait3A_134 = tpu.memref_squeeze %dma_wait3A_133 : memref<1x16x512xf32, #tpu.memory_space<hbm>> -> memref<16x512xf32, #tpu.memory_space<hbm>>
        tpu.wait_dma2 semaphore(%arg11 : memref<!tpu.dma_semaphore, #tpu.memory_space<semaphore_mem>>) src(%dma_wait3A_134 : memref<16x512xf32, #tpu.memory_space<hbm>>) dst(%arg6 : memref<16x512xf32, #tpu.memory_space<vmem>>)
        %parallel_loop3A_135 = arith.constant 0 : i32
        %parallel_loop3A_136 = arith.constant 512 : i32
        %parallel_loop3A_137 = arith.constant 1 : i32
        scf.for %parallel_loop3A_146 = %parallel_loop3A_135 to %parallel_loop3A_136 step %parallel_loop3A_137  : i32 {
          %parallel_loop3A_147 = arith.constant 5 : i32
          %parallel_loop3A_148 = arith.shrsi %parallel_loop3A_146, %parallel_loop3A_147 : i32
          %parallel_loop3A_149 = arith.constant 31 : i32
          %parallel_loop3A_150 = arith.andi %parallel_loop3A_146, %parallel_loop3A_149 : i32
          %parallel_loop3A_151 = arith.constant 16 : i32
          %parallel_loop3A_152 = arith.muli %parallel_loop3A_150, %parallel_loop3A_151 : i32
          %parallel_loop3A_153 = arith.index_cast %parallel_loop3A_148 : i32 to index
          %parallel_loop3A_154 = arith.index_cast %parallel_loop3A_152 : i32 to index
          %parallel_loop3A_155 = tpu.vector_load %arg6[%parallel_loop3A_153, %parallel_loop3A_154] {strides = array<i32>} : memref<16x512xf32, #tpu.memory_space<vmem>>, vector<16xf32>,
          %parallel_loop3A_156 = vector.bitcast %parallel_loop3A_155 : vector<16xf32> to vector<16xi32>
          %parallel_loop3A_157 = arith.constant 16 : i32
          %parallel_loop3A_158 = vector.broadcast %parallel_loop3A_157 : i32 to vector<16xi32>
          %parallel_loop3A_159 = arith.shrui %parallel_loop3A_156, %parallel_loop3A_158 : vector<16xi32>
          %parallel_loop3A_160 = vector.broadcast %scan3A_42#1 : i32 to vector<16xi32>
          %parallel_loop3A_161 = arith.cmpi eq, %parallel_loop3A_159, %parallel_loop3A_160 : vector<16xi32>
          %parallel_loop3A_162 = arith.constant 65535 : i32
          %parallel_loop3A_163 = vector.broadcast %parallel_loop3A_162 : i32 to vector<16xi32>
          %parallel_loop3A_164 = arith.andi %parallel_loop3A_156, %parallel_loop3A_163 : vector<16xi32>
          %parallel_loop3A_165 = arith.constant 65536 : i32
          %parallel_loop3A_166 = vector.broadcast %parallel_loop3A_165 : i32 to vector<16xi32>
          %parallel_loop3A_167 = arith.select %parallel_loop3A_161, %parallel_loop3A_164, %parallel_loop3A_166 : vector<16xi1>, vector<16xi32>
          %parallel_loop3A_168 = arith.constant true
          %parallel_loop3A_169 = vector.broadcast %parallel_loop3A_168 : i1 to vector<16xi1>
          %parallel_loop3A_170, %parallel_loop3A_171 = tpu.scan_count mask(%parallel_loop3A_169 : vector<16xi1>) value(%parallel_loop3A_167 : vector<16xi32>) : vector<16xi1>, vector<16xi32>
          tpu.vector_store_idx %arg8[%parallel_loop3A_167], %parallel_loop3A_171 masked %parallel_loop3A_170 {add = true} : memref<65552xi32, #tpu.memory_space<vmem>>[vector<16xi32>], vector<16xi32>, vector<16xi1>
        } {sc.loop_unroll_factor = 8 : i64, sc.parallel_access}
        %add3A_138 = arith.constant 2 : i32
        %add3A_139 = arith.addi %add3A_126, %add3A_138 : i32
        %lt3A_140 = arith.constant 32 : i32
        %lt3A_141 = arith.cmpi slt, %add3A_139, %lt3A_140 : i32
        %convert_element_type3A_142 = arith.extui %lt3A_141 : i1 to i32
        %cond3A_143 = arith.constant 0 : i32
        %cond3A_144 = arith.cmpi ne, %convert_element_type3A_142, %cond3A_143 : i32
        scf.if %cond3A_144 {
          %add3A_146 = arith.constant 2 : i32
          %add3A_147 = arith.addi %add3A_126, %add3A_146 : i32
          %mul3A_148 = arith.constant 16 : i32
          %mul3A_149 = arith.muli %add3A_147, %mul3A_148 : i32
          %dma_start3A_150 = arith.constant 0 : i32
          %dma_start3A_151 = tpu.memref_slice %arg2[%add3A, %mul3A_149, %dma_start3A_150] : memref<20x512x512xf32, #tpu.memory_space<hbm>> -> memref<1x16x512xf32, #tpu.memory_space<hbm>>
          %dma_start3A_152 = tpu.memref_squeeze %dma_start3A_151 : memref<1x16x512xf32, #tpu.memory_space<hbm>> -> memref<16x512xf32, #tpu.memory_space<hbm>>
          %dma_start3A_153 = arith.constant 0 : i32
          %dma_start3A_154 = tpu.memref_slice %arg2[%add3A, %mul3A_149, %dma_start3A_153] : memref<20x512x512xf32, #tpu.memory_space<hbm>> -> memref<1x16x512xf32, #tpu.memory_space<hbm>>
          %dma_start3A_155 = tpu.memref_squeeze %dma_start3A_154 : memref<1x16x512xf32, #tpu.memory_space<hbm>> -> memref<16x512xf32, #tpu.memory_space<hbm>>
          tpu.enqueue_dma source(%dma_start3A_155 : memref<16x512xf32, #tpu.memory_space<hbm>>) target(%arg6 : memref<16x512xf32, #tpu.memory_space<vmem>>) target_semaphore(%arg11 : memref<!tpu.dma_semaphore, #tpu.memory_space<semaphore_mem>>)
        } else {
        }
        %scan3A_145 = arith.constant 0 : i32
        scf.yield %scan3A_145 : i32
      }
      %scan3A_66 = arith.constant 16 : i32
      %sub3A = arith.constant 131072 : i32
      %sub3A_67 = arith.subi %sub3A, %scan3A_42#2 : i32
      %scan3A_68 = arith.constant 0 : i32
      %scan3A_69 = arith.constant -1 : i32
      %scan3A_70 = arith.constant 0 : i32
      %scan3A_71 = arith.constant 0 : i32
      %scan3A_72 = arith.constant 1024 : i32
      %scan3A_73 = arith.addi %scan3A_71, %scan3A_72 : i32
      %scan3A_74 = arith.constant 1 : i32
      %scan3A_75:3 = scf.for %scan3A_101 = %scan3A_71 to %scan3A_73 step %scan3A_74 iter_args(%scan3A_102 = %scan3A_68, %scan3A_103 = %scan3A_69, %scan3A_104 = %scan3A_70) -> (i32, i32, i32)  : i32 {
        %add3A_105 = arith.constant 1 : i32
        %add3A_106 = arith.addi %scan3A_101, %add3A_105 : i32
        %mul3A_107 = arith.constant 64 : i32
        %mul3A_108 = arith.muli %mul3A_107, %add3A_106 : i32
        %sub3A_109 = arith.constant 65536 : i32
        %sub3A_110 = arith.subi %sub3A_109, %mul3A_108 : i32
        %add3A_111 = arith.constant 0 : i32
        %add3A_112 = arith.addi %sub3A_110, %add3A_111 : i32
        %get3A = arith.index_cast %add3A_112 : i32 to index
        %get3A_113 = tpu.vector_load %arg8[%get3A] {strides = array<i32>} : memref<65552xi32, #tpu.memory_space<vmem>>, vector<16xi32>,
        %reduce_sum3A = arith.constant true
        %reduce_sum3A_114 = vector.broadcast %reduce_sum3A : i1 to vector<16xi1>
        %reduce_sum3A_115 = tpu.scan <sum>, %get3A_113 masked %reduce_sum3A_114 : vector<16xi32>, vector<16xi1> -> vector<16xi32>
        %reduce_sum3A_116 = vector.extract %reduce_sum3A_115[15] : i32 from vector<16xi32>
        %add3A_117 = arith.constant 0 : i32
        %add3A_118 = arith.addi %add3A_117, %reduce_sum3A_116 : i32
        %add3A_119 = arith.constant 16 : i32
        %add3A_120 = arith.addi %sub3A_110, %add3A_119 : i32
        %get3A_121 = arith.index_cast %add3A_120 : i32 to index
        %get3A_122 = tpu.vector_load %arg8[%get3A_121] {strides = array<i32>} : memref<65552xi32, #tpu.memory_space<vmem>>, vector<16xi32>,
        %reduce_sum3A_123 = arith.constant true
        %reduce_sum3A_124 = vector.broadcast %reduce_sum3A_123 : i1 to vector<16xi1>
        %reduce_sum3A_125 = tpu.scan <sum>, %get3A_122 masked %reduce_sum3A_124 : vector<16xi32>, vector<16xi1> -> vector<16xi32>
        %reduce_sum3A_126 = vector.extract %reduce_sum3A_125[15] : i32 from vector<16xi32>
        %add3A_127 = arith.addi %add3A_118, %reduce_sum3A_126 : i32
        %add3A_128 = arith.constant 32 : i32
        %add3A_129 = arith.addi %sub3A_110, %add3A_128 : i32
        %get3A_130 = arith.index_cast %add3A_129 : i32 to index
        %get3A_131 = tpu.vector_load %arg8[%get3A_130] {strides = array<i32>} : memref<65552xi32, #tpu.memory_space<vmem>>, vector<16xi32>,
        %reduce_sum3A_132 = arith.constant true
        %reduce_sum3A_133 = vector.broadcast %reduce_sum3A_132 : i1 to vector<16xi1>
        %reduce_sum3A_134 = tpu.scan <sum>, %get3A_131 masked %reduce_sum3A_133 : vector<16xi32>, vector<16xi1> -> vector<16xi32>
        %reduce_sum3A_135 = vector.extract %reduce_sum3A_134[15] : i32 from vector<16xi32>
        %add3A_136 = arith.addi %add3A_127, %reduce_sum3A_135 : i32
        %add3A_137 = arith.constant 48 : i32
        %add3A_138 = arith.addi %sub3A_110, %add3A_137 : i32
        %get3A_139 = arith.index_cast %add3A_138 : i32 to index
        %get3A_140 = tpu.vector_load %arg8[%get3A_139] {strides = array<i32>} : memref<65552xi32, #tpu.memory_space<vmem>>, vector<16xi32>,
        %reduce_sum3A_141 = arith.constant true
        %reduce_sum3A_142 = vector.broadcast %reduce_sum3A_141 : i1 to vector<16xi1>
        %reduce_sum3A_143 = tpu.scan <sum>, %get3A_140 masked %reduce_sum3A_142 : vector<16xi32>, vector<16xi1> -> vector<16xi32>
        %reduce_sum3A_144 = vector.extract %reduce_sum3A_143[15] : i32 from vector<16xi32>
        %add3A_145 = arith.addi %add3A_136, %reduce_sum3A_144 : i32
        %add3A_146 = arith.addi %scan3A_102, %add3A_145 : i32
        %lt3A_147 = arith.constant 0 : i32
        %lt3A_148 = arith.cmpi slt, %scan3A_103, %lt3A_147 : i32
        %ge3A = arith.cmpi sge, %add3A_146, %sub3A_67 : i32
        %and3A = arith.andi %lt3A_148, %ge3A : i1
        %select_n3A_149 = arith.select %and3A, %scan3A_101, %scan3A_103 : i32
        %select_n3A_150 = arith.select %and3A, %scan3A_102, %scan3A_104 : i32
        scf.yield %add3A_146, %select_n3A_149, %select_n3A_150 : i32, i32, i32
      }
      %scan3A_76 = arith.constant 1024 : i32
      %scan3A_77 = arith.constant -1 : i32
      %scan3A_78 = arith.constant 0 : i32
      %scan3A_79 = arith.constant 0 : i32
      %scan3A_80 = arith.constant 0 : i32
      %scan3A_81 = arith.constant 4 : i32
      %scan3A_82 = arith.addi %scan3A_80, %scan3A_81 : i32
      %scan3A_83 = arith.constant 1 : i32
      %scan3A_84:4 = scf.for %scan3A_101 = %scan3A_80 to %scan3A_82 step %scan3A_83 iter_args(%scan3A_102 = %scan3A_75#2, %scan3A_103 = %scan3A_77, %scan3A_104 = %scan3A_78, %scan3A_105 = %scan3A_79) -> (i32, i32, i32, i32)  : i32 {
        %add3A_106 = arith.constant 1 : i32
        %add3A_107 = arith.addi %scan3A_75#1, %add3A_106 : i32
        %mul3A_108 = arith.constant 64 : i32
        %mul3A_109 = arith.muli %mul3A_108, %add3A_107 : i32
        %sub3A_110 = arith.constant 65536 : i32
        %sub3A_111 = arith.subi %sub3A_110, %mul3A_109 : i32
        %sub3A_112 = arith.constant 3 : i32
        %sub3A_113 = arith.subi %sub3A_112, %scan3A_101 : i32
        %mul3A_114 = arith.constant 16 : i32
        %mul3A_115 = arith.muli %sub3A_113, %mul3A_114 : i32
        %add3A_116 = arith.addi %sub3A_111, %mul3A_115 : i32
        %get3A = arith.index_cast %add3A_116 : i32 to index
        %get3A_117 = tpu.vector_load %arg8[%get3A] {strides = array<i32>} : memref<65552xi32, #tpu.memory_space<vmem>>, vector<16xi32>,
        %rev3A = arith.constant 15 : i32
        %rev3A_118 = vector.broadcast %rev3A : i32 to vector<16xi32>
        %rev3A_119 = tpu.iota {dimensions = array<i32: 0>} : vector<16xi32>
        %rev3A_120 = arith.subi %rev3A_118, %rev3A_119 : vector<16xi32>
        %rev3A_121 = tpu.dynamic_gather %get3A_117[%rev3A_120] in [0] : vector<16xi32>, vector<16xi32> -> vector<16xi32>
        %broadcast_in_dim3A_122 = arith.constant true
        %broadcast_in_dim3A_123 = vector.broadcast %broadcast_in_dim3A_122 : i1 to vector<16xi1>
        %masked_cumsum3A = tpu.scan <sum>, %rev3A_121 masked %broadcast_in_dim3A_123 : vector<16xi32>, vector<16xi1> -> vector<16xi32>
        %add3A_124 = vector.broadcast %scan3A_102 : i32 to vector<16xi32>
        %add3A_125 = arith.addi %add3A_124, %masked_cumsum3A : vector<16xi32>
        %ge3A = vector.broadcast %sub3A_67 : i32 to vector<16xi32>
        %ge3A_126 = arith.cmpi sge, %add3A_125, %ge3A : vector<16xi32>
        %jit3A_127 = arith.constant 1 : i32
        %jit3A_128 = arith.constant 0 : i32
        %broadcast_in_dim3A_129 = vector.broadcast %jit3A_127 : i32 to vector<16xi32>
        %broadcast_in_dim3A_130 = vector.broadcast %jit3A_128 : i32 to vector<16xi32>
        %select_n3A_131 = arith.select %ge3A_126, %broadcast_in_dim3A_129, %broadcast_in_dim3A_130 : vector<16xi1>, vector<16xi32>
        %reduce_sum3A = arith.constant true
        %reduce_sum3A_132 = vector.broadcast %reduce_sum3A : i1 to vector<16xi1>
        %reduce_sum3A_133 = tpu.scan <sum>, %select_n3A_131 masked %reduce_sum3A_132 : vector<16xi32>, vector<16xi1> -> vector<16xi32>
        %reduce_sum3A_134 = vector.extract %reduce_sum3A_133[15] : i32 from vector<16xi32>
        %sub3A_135 = arith.constant 16 : i32
        %sub3A_136 = arith.subi %sub3A_135, %reduce_sum3A_134 : i32
        %eq3A_137 = vector.broadcast %sub3A_136 : i32 to vector<16xi32>
        %eq3A_138 = arith.cmpi eq, %iota3A, %eq3A_137 : vector<16xi32>
        %jit3A_139 = arith.constant 0 : i32
        %broadcast_in_dim3A_140 = vector.broadcast %jit3A_139 : i32 to vector<16xi32>
        %select_n3A_141 = arith.select %eq3A_138, %masked_cumsum3A, %broadcast_in_dim3A_140 : vector<16xi1>, vector<16xi32>
        %reduce_sum3A_142 = arith.constant true
        %reduce_sum3A_143 = vector.broadcast %reduce_sum3A_142 : i1 to vector<16xi1>
        %reduce_sum3A_144 = tpu.scan <sum>, %select_n3A_141 masked %reduce_sum3A_143 : vector<16xi32>, vector<16xi1> -> vector<16xi32>
        %reduce_sum3A_145 = vector.extract %reduce_sum3A_144[15] : i32 from vector<16xi32>
        %eq3A_146 = vector.broadcast %sub3A_136 : i32 to vector<16xi32>
        %eq3A_147 = arith.cmpi eq, %iota3A, %eq3A_146 : vector<16xi32>
        %jit3A_148 = arith.constant 0 : i32
        %broadcast_in_dim3A_149 = vector.broadcast %jit3A_148 : i32 to vector<16xi32>
        %select_n3A_150 = arith.select %eq3A_147, %rev3A_121, %broadcast_in_dim3A_149 : vector<16xi1>, vector<16xi32>
        %reduce_sum3A_151 = arith.constant true
        %reduce_sum3A_152 = vector.broadcast %reduce_sum3A_151 : i1 to vector<16xi1>
        %reduce_sum3A_153 = tpu.scan <sum>, %select_n3A_150 masked %reduce_sum3A_152 : vector<16xi32>, vector<16xi1> -> vector<16xi32>
        %reduce_sum3A_154 = vector.extract %reduce_sum3A_153[15] : i32 from vector<16xi32>
        %lt3A_155 = arith.constant 0 : i32
        %lt3A_156 = arith.cmpi slt, %scan3A_103, %lt3A_155 : i32
        %gt3A = arith.constant 0 : i32
        %gt3A_157 = arith.cmpi sgt, %reduce_sum3A_134, %gt3A : i32
        %and3A = arith.andi %lt3A_156, %gt3A_157 : i1
        %reduce_sum3A_158 = arith.constant true
        %reduce_sum3A_159 = vector.broadcast %reduce_sum3A_158 : i1 to vector<16xi1>
        %reduce_sum3A_160 = tpu.scan <sum>, %get3A_117 masked %reduce_sum3A_159 : vector<16xi32>, vector<16xi1> -> vector<16xi32>
        %reduce_sum3A_161 = vector.extract %reduce_sum3A_160[15] : i32 from vector<16xi32>
        %add3A_162 = arith.addi %scan3A_102, %reduce_sum3A_161 : i32
        %add3A_163 = arith.constant 15 : i32
        %add3A_164 = arith.addi %add3A_116, %add3A_163 : i32
        %sub3A_165 = arith.subi %add3A_164, %sub3A_136 : i32
        %select_n3A_166 = arith.select %and3A, %sub3A_165, %scan3A_103 : i32
        %add3A_167 = arith.addi %scan3A_102, %reduce_sum3A_145 : i32
        %sub3A_168 = arith.subi %add3A_167, %reduce_sum3A_154 : i32
        %select_n3A_169 = arith.select %and3A, %sub3A_168, %scan3A_104 : i32
        %add3A_170 = arith.addi %scan3A_102, %reduce_sum3A_145 : i32
        %select_n3A_171 = arith.select %and3A, %add3A_170, %scan3A_105 : i32
        scf.yield %add3A_162, %select_n3A_166, %select_n3A_169, %select_n3A_171 : i32, i32, i32, i32
      }
      %scan3A_85 = arith.constant 4 : i32
      %shift_left3A = arith.constant 16 : i32
      %shift_left3A_86 = arith.shli %scan3A_42#1, %shift_left3A : i32
      %or3A = arith.ori %shift_left3A_86, %scan3A_84#1 : i32
      %add3A_87 = arith.addi %scan3A_42#2, %scan3A_84#3 : i32
      %convert_element_type3A_88 = arith.sitofp %add3A_87 : i32 to f32
      %eq3A = arith.constant 0 : i32
      %eq3A_89 = vector.broadcast %eq3A : i32 to vector<16xi32>
      %eq3A_90 = arith.cmpi eq, %iota3A, %eq3A_89 : vector<16xi32>
      %jit3A = arith.constant 0 : i32
      %broadcast_in_dim3A = vector.broadcast %or3A : i32 to vector<16xi32>
      %broadcast_in_dim3A_91 = vector.broadcast %jit3A : i32 to vector<16xi32>
      %select_n3A = arith.select %eq3A_90, %broadcast_in_dim3A, %broadcast_in_dim3A_91 : vector<16xi1>, vector<16xi32>
      %bitcast3A = vector.bitcast %select_n3A : vector<16xi32> to vector<16xf32>
      %eq3A_92 = arith.constant 1 : i32
      %eq3A_93 = vector.broadcast %eq3A_92 : i32 to vector<16xi32>
      %eq3A_94 = arith.cmpi eq, %iota3A, %eq3A_93 : vector<16xi32>
      %jit3A_95 = arith.constant 0.000000e+00 : f32
      %broadcast_in_dim3A_96 = vector.broadcast %convert_element_type3A_88 : f32 to vector<16xf32>
      %broadcast_in_dim3A_97 = vector.broadcast %jit3A_95 : f32 to vector<16xf32>
      %select_n3A_98 = arith.select %eq3A_94, %broadcast_in_dim3A_96, %broadcast_in_dim3A_97 : vector<16xi1>, vector<16xf32>
      %add3A_99 = arith.addf %bitcast3A, %select_n3A_98 : vector<16xf32>
      %swap3A = arith.constant 0 : index
      %swap3A_100 = tpu.vector_load %arg9[%swap3A] {strides = array<i32>} : memref<128xf32, #tpu.memory_space<vmem>>, vector<16xf32>,
      tpu.vector_store %arg9[%swap3A], %add3A_99 {strides = array<i32>} : memref<128xf32, #tpu.memory_space<vmem>>, vector<16xf32>,
      "tpu.region"() ({
        %run_scoped3A = tpu.sem_alloc : memref<!tpu.dma_semaphore, #tpu.memory_space<semaphore_mem>>
        %dma_start3A_101 = arith.constant 0 : i32
        %dma_start3A_102 = tpu.memref_slice %arg4[%add3A, %dma_start3A_101] : memref<32x128xf32, #tpu.memory_space<hbm>> -> memref<1x128xf32, #tpu.memory_space<hbm>>
        %dma_start3A_103 = tpu.memref_squeeze %dma_start3A_102 : memref<1x128xf32, #tpu.memory_space<hbm>> -> memref<128xf32, #tpu.memory_space<hbm>>
        %dma_start3A_104 = arith.constant 0 : i32
        %dma_start3A_105 = tpu.memref_slice %arg4[%add3A, %dma_start3A_104] : memref<32x128xf32, #tpu.memory_space<hbm>> -> memref<1x128xf32, #tpu.memory_space<hbm>>
        %dma_start3A_106 = tpu.memref_squeeze %dma_start3A_105 : memref<1x128xf32, #tpu.memory_space<hbm>> -> memref<128xf32, #tpu.memory_space<hbm>>
        tpu.enqueue_dma source(%arg9 : memref<128xf32, #tpu.memory_space<vmem>>) target(%dma_start3A_106 : memref<128xf32, #tpu.memory_space<hbm>>) target_semaphore(%run_scoped3A : memref<!tpu.dma_semaphore, #tpu.memory_space<semaphore_mem>>)
        %dma_wait3A = arith.constant 0 : i32
        %dma_wait3A_107 = tpu.memref_slice %arg4[%add3A, %dma_wait3A] : memref<32x128xf32, #tpu.memory_space<hbm>> -> memref<1x128xf32, #tpu.memory_space<hbm>>
        %dma_wait3A_108 = tpu.memref_squeeze %dma_wait3A_107 : memref<1x128xf32, #tpu.memory_space<hbm>> -> memref<128xf32, #tpu.memory_space<hbm>>
        %dma_wait3A_109 = arith.constant 0 : i32
        %dma_wait3A_110 = tpu.memref_slice %arg4[%add3A, %dma_wait3A_109] : memref<32x128xf32, #tpu.memory_space<hbm>> -> memref<1x128xf32, #tpu.memory_space<hbm>>
        %dma_wait3A_111 = tpu.memref_squeeze %dma_wait3A_110 : memref<1x128xf32, #tpu.memory_space<hbm>> -> memref<128xf32, #tpu.memory_space<hbm>>
        tpu.wait_dma2 semaphore(%run_scoped3A : memref<!tpu.dma_semaphore, #tpu.memory_space<semaphore_mem>>) src(%arg9 : memref<128xf32, #tpu.memory_space<vmem>>) dst(%dma_wait3A_111 : memref<128xf32, #tpu.memory_space<hbm>>)
        tpu.yield
      }) : () -> ()
    } else {
    }
    return
  }
}

module attributes {stable_mosaic.version = 14 : i64} {
  func.func @_conv_body(%arg0: i32, %arg1: memref<1xf32, #tpu.memory_space<smem>>, %arg2: memref<1x1x2x512x512xf32, #tpu.memory_space<vmem>>, %arg3: memref<1x1x512x512xf32, #tpu.memory_space<vmem>>, %arg4: memref<5x516x512xbf16, #tpu.memory_space<vmem>>, %arg5: memref<1x512x512xf32, #tpu.memory_space<vmem>>) attributes {dimension_semantics = [#tpu.dimension_semantics<arbitrary>], iteration_bounds = array<i64: 20>, scalar_prefetch = 0 : i64, scratch_operands = 0 : i64, tpu.core_type = #tpu.core_type<tc>, window_params = [{transform_indices = @transform_0, window_bounds = array<i64: 1>}, {transform_indices = @transform_1, window_bounds = array<i64: 1, 1, 2, 512, 512>}, {transform_indices = @transform_2, window_bounds = array<i64: 1, 1, 512, 512>}, {pipeline_mode = #tpu.pipeline_mode<synchronous>, transform_indices = @transform_3, window_bounds = array<i64: 5, 516, 512>}, {transform_indices = @transform_4, window_bounds = array<i64: 1, 512, 512>}]} {
    %get3A = arith.constant 0 : index
    %get3A_0 = arith.constant 0 : index
    %get3A_1 = arith.constant 0 : index
    %get3A_2 = arith.constant 0 : index
    %get3A_3 = arith.constant 0 : index
    %get3A_4 = vector.load %arg2[%get3A, %get3A_0, %get3A_1, %get3A_2, %get3A_3] : memref<1x1x2x512x512xf32, #tpu.memory_space<vmem>>, vector<1x1x1x512x512xf32>
    %get3A_5 = vector.shape_cast %get3A_4 : vector<1x1x1x512x512xf32> to vector<512x512xf32>
    %get3A_6 = arith.constant 0 : index
    %get3A_7 = arith.constant 0 : index
    %get3A_8 = arith.constant 1 : index
    %get3A_9 = arith.constant 0 : index
    %get3A_10 = arith.constant 0 : index
    %get3A_11 = vector.load %arg2[%get3A_6, %get3A_7, %get3A_8, %get3A_9, %get3A_10] : memref<1x1x2x512x512xf32, #tpu.memory_space<vmem>>, vector<1x1x1x512x512xf32>
    %get3A_12 = vector.shape_cast %get3A_11 : vector<1x1x1x512x512xf32> to vector<512x512xf32>
    %max3A = arith.maximumf %get3A_5, %get3A_12 : vector<512x512xf32>
    %logistic3A = arith.negf %max3A : vector<512x512xf32>
    %logistic3A_13 = math.exp %logistic3A : vector<512x512xf32>
    %logistic3A_14 = arith.constant 1.000000e+00 : f32
    %logistic3A_15 = vector.broadcast %logistic3A_14 : f32 to vector<512x512xf32>
    %logistic3A_16 = arith.addf %logistic3A_15, %logistic3A_13 : vector<512x512xf32>
    %logistic3A_17 = arith.divf %logistic3A_15, %logistic3A_16 : vector<512x512xf32>
    %get3A_18 = arith.constant 0 : index
    %get3A_19 = arith.constant 0 : index
    %get3A_20 = arith.constant 0 : index
    %get3A_21 = arith.constant 0 : index
    %get3A_22 = vector.load %arg3[%get3A_18, %get3A_19, %get3A_20, %get3A_21] : memref<1x1x512x512xf32, #tpu.memory_space<vmem>>, vector<1x1x512x512xf32>
    %get3A_23 = vector.shape_cast %get3A_22 : vector<1x1x512x512xf32> to vector<512x512xf32>
    %mul3A = arith.mulf %logistic3A_17, %get3A_23 : vector<512x512xf32>
    %convert_element_type3A = arith.truncf %mul3A : vector<512x512xf32> to vector<512x512xbf16>
    %broadcast_in_dim3A = arith.constant 0.000000e+00 : bf16
    %broadcast_in_dim3A_24 = vector.broadcast %broadcast_in_dim3A : bf16 to vector<512x2xbf16>
    %concatenate3A = tpu.concatenate %broadcast_in_dim3A_24, %convert_element_type3A, %broadcast_in_dim3A_24 in 1 : vector<512x2xbf16>, vector<512x512xbf16>, vector<512x2xbf16> -> vector<512x516xbf16>
    %broadcast_in_dim3A_25 = arith.constant 0.000000e+00 : bf16
    %broadcast_in_dim3A_26 = vector.broadcast %broadcast_in_dim3A_25 : bf16 to vector<2x516xbf16>
    %concatenate3A_27 = tpu.concatenate %broadcast_in_dim3A_26, %concatenate3A, %broadcast_in_dim3A_26 in 0 : vector<2x516xbf16>, vector<512x516xbf16>, vector<2x516xbf16> -> vector<516x516xbf16>
    %get3A_28 = arith.constant 0 : index
    %get3A_29 = memref.load %arg1[%get3A_28] : memref<1xf32, #tpu.memory_space<smem>>
    %broadcast_in_dim3A_30 = vector.broadcast %get3A_29 : f32 to vector<512x512xf32>
    %slice3A = vector.extract_strided_slice %concatenate3A_27 {offsets = [0, 0], sizes = [512, 516], strides = [1, 1]} : vector<516x516xbf16> to vector<512x516xbf16>
    %get3A_31 = arith.constant 0 : index
    %get3A_32 = arith.constant 0 : index
    %get3A_33 = arith.constant 0 : index
    %get3A_34 = vector.load %arg4[%get3A_31, %get3A_32, %get3A_33] : memref<5x516x512xbf16, #tpu.memory_space<vmem>>, vector<1x516x512xbf16>
    %get3A_35 = vector.shape_cast %get3A_34 : vector<1x516x512xbf16> to vector<516x512xbf16>
    %dot_general3A = arith.constant dense<0.000000e+00> : vector<512x512xf32>
    %dot_general3A_36 = tpu.matmul %slice3A, %get3A_35, %dot_general3A {dimension_numbers = #tpu.dot_dimension_numbers<[1], [0], [0], [1], [0, 0, 1, 1], [], []>, transpose_lhs_hint = false} : vector<512x516xbf16>, vector<516x512xbf16>, vector<512x512xf32> -> vector<512x512xf32>
    %add3A = arith.addf %broadcast_in_dim3A_30, %dot_general3A_36 : vector<512x512xf32>
    %slice3A_37 = vector.extract_strided_slice %concatenate3A_27 {offsets = [1, 0], sizes = [512, 516], strides = [1, 1]} : vector<516x516xbf16> to vector<512x516xbf16>
    %get3A_38 = arith.constant 1 : index
    %get3A_39 = arith.constant 0 : index
    %get3A_40 = arith.constant 0 : index
    %get3A_41 = vector.load %arg4[%get3A_38, %get3A_39, %get3A_40] : memref<5x516x512xbf16, #tpu.memory_space<vmem>>, vector<1x516x512xbf16>
    %get3A_42 = vector.shape_cast %get3A_41 : vector<1x516x512xbf16> to vector<516x512xbf16>
    %dot_general3A_43 = arith.constant dense<0.000000e+00> : vector<512x512xf32>
    %dot_general3A_44 = tpu.matmul %slice3A_37, %get3A_42, %dot_general3A_43 {dimension_numbers = #tpu.dot_dimension_numbers<[1], [0], [0], [1], [0, 0, 1, 1], [], []>, transpose_lhs_hint = false} : vector<512x516xbf16>, vector<516x512xbf16>, vector<512x512xf32> -> vector<512x512xf32>
    %add3A_45 = arith.addf %add3A, %dot_general3A_44 : vector<512x512xf32>
    %slice3A_46 = vector.extract_strided_slice %concatenate3A_27 {offsets = [2, 0], sizes = [512, 516], strides = [1, 1]} : vector<516x516xbf16> to vector<512x516xbf16>
    %get3A_47 = arith.constant 2 : index
    %get3A_48 = arith.constant 0 : index
    %get3A_49 = arith.constant 0 : index
    %get3A_50 = vector.load %arg4[%get3A_47, %get3A_48, %get3A_49] : memref<5x516x512xbf16, #tpu.memory_space<vmem>>, vector<1x516x512xbf16>
    %get3A_51 = vector.shape_cast %get3A_50 : vector<1x516x512xbf16> to vector<516x512xbf16>
    %dot_general3A_52 = arith.constant dense<0.000000e+00> : vector<512x512xf32>
    %dot_general3A_53 = tpu.matmul %slice3A_46, %get3A_51, %dot_general3A_52 {dimension_numbers = #tpu.dot_dimension_numbers<[1], [0], [0], [1], [0, 0, 1, 1], [], []>, transpose_lhs_hint = false} : vector<512x516xbf16>, vector<516x512xbf16>, vector<512x512xf32> -> vector<512x512xf32>
    %add3A_54 = arith.addf %add3A_45, %dot_general3A_53 : vector<512x512xf32>
    %slice3A_55 = vector.extract_strided_slice %concatenate3A_27 {offsets = [3, 0], sizes = [512, 516], strides = [1, 1]} : vector<516x516xbf16> to vector<512x516xbf16>
    %get3A_56 = arith.constant 3 : index
    %get3A_57 = arith.constant 0 : index
    %get3A_58 = arith.constant 0 : index
    %get3A_59 = vector.load %arg4[%get3A_56, %get3A_57, %get3A_58] : memref<5x516x512xbf16, #tpu.memory_space<vmem>>, vector<1x516x512xbf16>
    %get3A_60 = vector.shape_cast %get3A_59 : vector<1x516x512xbf16> to vector<516x512xbf16>
    %dot_general3A_61 = arith.constant dense<0.000000e+00> : vector<512x512xf32>
    %dot_general3A_62 = tpu.matmul %slice3A_55, %get3A_60, %dot_general3A_61 {dimension_numbers = #tpu.dot_dimension_numbers<[1], [0], [0], [1], [0, 0, 1, 1], [], []>, transpose_lhs_hint = false} : vector<512x516xbf16>, vector<516x512xbf16>, vector<512x512xf32> -> vector<512x512xf32>
    %add3A_63 = arith.addf %add3A_54, %dot_general3A_62 : vector<512x512xf32>
    %slice3A_64 = vector.extract_strided_slice %concatenate3A_27 {offsets = [4, 0], sizes = [512, 516], strides = [1, 1]} : vector<516x516xbf16> to vector<512x516xbf16>
    %get3A_65 = arith.constant 4 : index
    %get3A_66 = arith.constant 0 : index
    %get3A_67 = arith.constant 0 : index
    %get3A_68 = vector.load %arg4[%get3A_65, %get3A_66, %get3A_67] : memref<5x516x512xbf16, #tpu.memory_space<vmem>>, vector<1x516x512xbf16>
    %get3A_69 = vector.shape_cast %get3A_68 : vector<1x516x512xbf16> to vector<516x512xbf16>
    %dot_general3A_70 = arith.constant dense<0.000000e+00> : vector<512x512xf32>
    %dot_general3A_71 = tpu.matmul %slice3A_64, %get3A_69, %dot_general3A_70 {dimension_numbers = #tpu.dot_dimension_numbers<[1], [0], [0], [1], [0, 0, 1, 1], [], []>, transpose_lhs_hint = false} : vector<512x516xbf16>, vector<516x512xbf16>, vector<512x512xf32> -> vector<512x512xf32>
    %add3A_72 = arith.addf %add3A_63, %dot_general3A_71 : vector<512x512xf32>
    %swap3A = arith.constant 0 : index
    %swap3A_73 = arith.constant 0 : index
    %swap3A_74 = arith.constant 0 : index
    %swap3A_75 = vector.load %arg5[%swap3A, %swap3A_73, %swap3A_74] : memref<1x512x512xf32, #tpu.memory_space<vmem>>, vector<1x512x512xf32>
    %swap3A_76 = vector.shape_cast %swap3A_75 : vector<1x512x512xf32> to vector<512x512xf32>
    %swap3A_77 = vector.shape_cast %add3A_72 : vector<512x512xf32> to vector<1x512x512xf32>
    tpu.vector_store %arg5[%swap3A, %swap3A_73, %swap3A_74], %swap3A_77 {strides = array<i32>} : memref<1x512x512xf32, #tpu.memory_space<vmem>>, vector<1x512x512xf32>,
    return
  }
  func.func @transform_0(%arg0: i32) -> i32 {
    %c0_i32 = arith.constant 0 : i32
    %c0_i32_0 = arith.constant 0 : i32
    return %c0_i32 : i32
  }
  func.func @transform_1(%arg0: i32) -> (i32, i32, i32, i32, i32) {
    %jit3A = arith.constant 5 : i32
    %div3A = arith.divsi %arg0, %jit3A : i32
    %sign3A = arith.constant 0 : i32
    %sign3A_0 = arith.cmpi sgt, %arg0, %sign3A : i32
    %sign3A_1 = arith.extui %sign3A_0 : i1 to i32
    %sign3A_2 = arith.constant 0 : i32
    %sign3A_3 = arith.cmpi slt, %arg0, %sign3A_2 : i32
    %sign3A_4 = arith.extui %sign3A_3 : i1 to i32
    %sign3A_5 = arith.subi %sign3A_1, %sign3A_4 : i32
    %sign3A_6 = arith.constant 0 : i32
    %sign3A_7 = arith.cmpi sgt, %jit3A, %sign3A_6 : i32
    %sign3A_8 = arith.extui %sign3A_7 : i1 to i32
    %sign3A_9 = arith.constant 0 : i32
    %sign3A_10 = arith.cmpi slt, %jit3A, %sign3A_9 : i32
    %sign3A_11 = arith.extui %sign3A_10 : i1 to i32
    %sign3A_12 = arith.subi %sign3A_8, %sign3A_11 : i32
    %ne3A = arith.cmpi ne, %sign3A_5, %sign3A_12 : i32
    %rem3A = arith.remsi %arg0, %jit3A : i32
    %ne3A_13 = arith.constant 0 : i32
    %ne3A_14 = arith.cmpi ne, %rem3A, %ne3A_13 : i32
    %and3A = arith.andi %ne3A, %ne3A_14 : i1
    %sub3A = arith.constant 1 : i32
    %sub3A_15 = arith.subi %div3A, %sub3A : i32
    %select_n3A = arith.select %and3A, %sub3A_15, %div3A : i32
    %jit3A_16 = arith.constant 5 : i32
    %eq3A = arith.constant 0 : i32
    %eq3A_17 = arith.cmpi eq, %jit3A_16, %eq3A : i32
    %jit3A_18 = arith.constant 1 : i32
    %select_n3A_19 = arith.select %eq3A_17, %jit3A_18, %jit3A_16 : i32
    %rem3A_20 = arith.remsi %arg0, %select_n3A_19 : i32
    %ne3A_21 = arith.constant 0 : i32
    %ne3A_22 = arith.cmpi ne, %rem3A_20, %ne3A_21 : i32
    %lt3A = arith.constant 0 : i32
    %lt3A_23 = arith.cmpi slt, %rem3A_20, %lt3A : i32
    %lt3A_24 = arith.constant 0 : i32
    %lt3A_25 = arith.cmpi slt, %select_n3A_19, %lt3A_24 : i32
    %ne3A_26 = arith.xori %lt3A_23, %lt3A_25 : i1
    %and3A_27 = arith.andi %ne3A_26, %ne3A_22 : i1
    %add3A = arith.addi %rem3A_20, %select_n3A_19 : i32
    %select_n3A_28 = arith.select %and3A_27, %add3A, %rem3A_20 : i32
    %add3A_29 = arith.constant 1 : i32
    %add3A_30 = arith.addi %select_n3A_28, %add3A_29 : i32
    %c0_i32 = arith.constant 0 : i32
    %c0_i32_31 = arith.constant 0 : i32
    %c0_i32_32 = arith.constant 0 : i32
    %c0_i32_33 = arith.constant 0 : i32
    return %select_n3A, %add3A_30, %c0_i32, %c0_i32_31, %c0_i32_32 : i32, i32, i32, i32, i32
  }
  func.func @transform_2(%arg0: i32) -> (i32, i32, i32, i32) {
    %jit3A = arith.constant 5 : i32
    %div3A = arith.divsi %arg0, %jit3A : i32
    %sign3A = arith.constant 0 : i32
    %sign3A_0 = arith.cmpi sgt, %arg0, %sign3A : i32
    %sign3A_1 = arith.extui %sign3A_0 : i1 to i32
    %sign3A_2 = arith.constant 0 : i32
    %sign3A_3 = arith.cmpi slt, %arg0, %sign3A_2 : i32
    %sign3A_4 = arith.extui %sign3A_3 : i1 to i32
    %sign3A_5 = arith.subi %sign3A_1, %sign3A_4 : i32
    %sign3A_6 = arith.constant 0 : i32
    %sign3A_7 = arith.cmpi sgt, %jit3A, %sign3A_6 : i32
    %sign3A_8 = arith.extui %sign3A_7 : i1 to i32
    %sign3A_9 = arith.constant 0 : i32
    %sign3A_10 = arith.cmpi slt, %jit3A, %sign3A_9 : i32
    %sign3A_11 = arith.extui %sign3A_10 : i1 to i32
    %sign3A_12 = arith.subi %sign3A_8, %sign3A_11 : i32
    %ne3A = arith.cmpi ne, %sign3A_5, %sign3A_12 : i32
    %rem3A = arith.remsi %arg0, %jit3A : i32
    %ne3A_13 = arith.constant 0 : i32
    %ne3A_14 = arith.cmpi ne, %rem3A, %ne3A_13 : i32
    %and3A = arith.andi %ne3A, %ne3A_14 : i1
    %sub3A = arith.constant 1 : i32
    %sub3A_15 = arith.subi %div3A, %sub3A : i32
    %select_n3A = arith.select %and3A, %sub3A_15, %div3A : i32
    %c0_i32 = arith.constant 0 : i32
    %c0_i32_16 = arith.constant 0 : i32
    %c0_i32_17 = arith.constant 0 : i32
    %c0_i32_18 = arith.constant 0 : i32
    return %select_n3A, %c0_i32, %c0_i32_16, %c0_i32_17 : i32, i32, i32, i32
  }
  func.func @transform_3(%arg0: i32) -> (i32, i32, i32) {
    %c0_i32 = arith.constant 0 : i32
    %c0_i32_0 = arith.constant 0 : i32
    %c0_i32_1 = arith.constant 0 : i32
    %c0_i32_2 = arith.constant 0 : i32
    return %c0_i32, %c0_i32_0, %c0_i32_1 : i32, i32, i32
  }
  func.func @transform_4(%arg0: i32) -> (i32, i32, i32) {
    %c0_i32 = arith.constant 0 : i32
    %c0_i32_0 = arith.constant 0 : i32
    %c0_i32_1 = arith.constant 0 : i32
    return %arg0, %c0_i32, %c0_i32_0 : i32, i32, i32
  }
}

module attributes {stable_mosaic.version = 14 : i64} {
  func.func @_mask_body(%arg0: i32, %arg1: memref<20xf32, #tpu.memory_space<smem>>, %arg2: memref<1x512x512xf32, #tpu.memory_space<vmem>>, %arg3: memref<1x512x512xf32, #tpu.memory_space<vmem>>) attributes {dimension_semantics = [#tpu.dimension_semantics<arbitrary>], iteration_bounds = array<i64: 24>, scalar_prefetch = 0 : i64, scratch_operands = 0 : i64, tpu.core_type = #tpu.core_type<tc>, window_params = [{transform_indices = @transform_0, window_bounds = array<i64: 20>}, {transform_indices = @transform_1, window_bounds = array<i64: 1, 512, 512>}, {transform_indices = @transform_2, window_bounds = array<i64: 1, 512, 512>}]} {
    %jit3A = arith.constant 6 : i32
    %eq3A = arith.constant 0 : i32
    %eq3A_0 = arith.cmpi eq, %jit3A, %eq3A : i32
    %jit3A_1 = arith.constant 1 : i32
    %select_n3A = arith.select %eq3A_0, %jit3A_1, %jit3A : i32
    %rem3A = arith.remsi %arg0, %select_n3A : i32
    %ne3A = arith.constant 0 : i32
    %ne3A_2 = arith.cmpi ne, %rem3A, %ne3A : i32
    %lt3A = arith.constant 0 : i32
    %lt3A_3 = arith.cmpi slt, %rem3A, %lt3A : i32
    %lt3A_4 = arith.constant 0 : i32
    %lt3A_5 = arith.cmpi slt, %select_n3A, %lt3A_4 : i32
    %ne3A_6 = arith.xori %lt3A_3, %lt3A_5 : i1
    %and3A = arith.andi %ne3A_6, %ne3A_2 : i1
    %add3A = arith.addi %rem3A, %select_n3A : i32
    %select_n3A_7 = arith.select %and3A, %add3A, %rem3A : i32
    %eq3A_8 = arith.constant 0 : i32
    %eq3A_9 = arith.cmpi eq, %select_n3A_7, %eq3A_8 : i32
    %convert_element_type3A = arith.extui %eq3A_9 : i1 to i32
    %cond3A = arith.constant 0 : i32
    %cond3A_10 = arith.cmpi ne, %convert_element_type3A, %cond3A : i32
    scf.if %cond3A_10 {
      %broadcast_in_dim3A = arith.constant 1.000000e+00 : f32
      %broadcast_in_dim3A_16 = vector.broadcast %broadcast_in_dim3A : f32 to vector<512x512xf32>
      %swap3A = arith.constant 0 : index
      %swap3A_17 = arith.constant 0 : index
      %swap3A_18 = arith.constant 0 : index
      %swap3A_19 = vector.load %arg3[%swap3A, %swap3A_17, %swap3A_18] : memref<1x512x512xf32, #tpu.memory_space<vmem>>, vector<1x512x512xf32>
      %swap3A_20 = vector.shape_cast %swap3A_19 : vector<1x512x512xf32> to vector<512x512xf32>
      %swap3A_21 = vector.shape_cast %broadcast_in_dim3A_16 : vector<512x512xf32> to vector<1x512x512xf32>
      tpu.vector_store %arg3[%swap3A, %swap3A_17, %swap3A_18], %swap3A_21 {strides = array<i32>} : memref<1x512x512xf32, #tpu.memory_space<vmem>>, vector<1x512x512xf32>,
    } else {
    }
    %ne3A_11 = arith.constant 0 : i32
    %ne3A_12 = arith.cmpi ne, %select_n3A_7, %ne3A_11 : i32
    %convert_element_type3A_13 = arith.extui %ne3A_12 : i1 to i32
    %cond3A_14 = arith.constant 0 : i32
    %cond3A_15 = arith.cmpi ne, %convert_element_type3A_13, %cond3A_14 : i32
    scf.if %cond3A_15 {
      %jit3A_16 = arith.constant 6 : i32
      %div3A = arith.divsi %arg0, %jit3A_16 : i32
      %sign3A = arith.constant 0 : i32
      %sign3A_17 = arith.cmpi sgt, %arg0, %sign3A : i32
      %sign3A_18 = arith.extui %sign3A_17 : i1 to i32
      %sign3A_19 = arith.constant 0 : i32
      %sign3A_20 = arith.cmpi slt, %arg0, %sign3A_19 : i32
      %sign3A_21 = arith.extui %sign3A_20 : i1 to i32
      %sign3A_22 = arith.subi %sign3A_18, %sign3A_21 : i32
      %sign3A_23 = arith.constant 0 : i32
      %sign3A_24 = arith.cmpi sgt, %jit3A_16, %sign3A_23 : i32
      %sign3A_25 = arith.extui %sign3A_24 : i1 to i32
      %sign3A_26 = arith.constant 0 : i32
      %sign3A_27 = arith.cmpi slt, %jit3A_16, %sign3A_26 : i32
      %sign3A_28 = arith.extui %sign3A_27 : i1 to i32
      %sign3A_29 = arith.subi %sign3A_25, %sign3A_28 : i32
      %ne3A_30 = arith.cmpi ne, %sign3A_22, %sign3A_29 : i32
      %rem3A_31 = arith.remsi %arg0, %jit3A_16 : i32
      %ne3A_32 = arith.constant 0 : i32
      %ne3A_33 = arith.cmpi ne, %rem3A_31, %ne3A_32 : i32
      %and3A_34 = arith.andi %ne3A_30, %ne3A_33 : i1
      %sub3A = arith.constant 1 : i32
      %sub3A_35 = arith.subi %div3A, %sub3A : i32
      %select_n3A_36 = arith.select %and3A_34, %sub3A_35, %div3A : i32
      %mul3A = arith.constant 5 : i32
      %mul3A_37 = arith.muli %select_n3A_36, %mul3A : i32
      %add3A_38 = arith.addi %mul3A_37, %select_n3A_7 : i32
      %sub3A_39 = arith.constant 1 : i32
      %sub3A_40 = arith.subi %add3A_38, %sub3A_39 : i32
      %get3A = arith.index_cast %sub3A_40 : i32 to index
      %get3A_41 = memref.load %arg1[%get3A] : memref<20xf32, #tpu.memory_space<smem>>
      %get3A_42 = arith.constant 0 : index
      %get3A_43 = arith.constant 0 : index
      %get3A_44 = arith.constant 0 : index
      %get3A_45 = vector.load %arg2[%get3A_42, %get3A_43, %get3A_44] : memref<1x512x512xf32, #tpu.memory_space<vmem>>, vector<1x512x512xf32>
      %get3A_46 = vector.shape_cast %get3A_45 : vector<1x512x512xf32> to vector<512x512xf32>
      %ge3A = vector.broadcast %get3A_41 : f32 to vector<512x512xf32>
      %ge3A_47 = arith.cmpf oge, %get3A_46, %ge3A : vector<512x512xf32>
      %convert_element_type3A_48 = arith.extui %ge3A_47 : vector<512x512xi1> to vector<512x512xi32>
      %convert_element_type3A_49 = arith.sitofp %convert_element_type3A_48 : vector<512x512xi32> to vector<512x512xf32>
      %swap3A = arith.constant 0 : index
      %swap3A_50 = arith.constant 0 : index
      %swap3A_51 = arith.constant 0 : index
      %swap3A_52 = vector.load %arg3[%swap3A, %swap3A_50, %swap3A_51] : memref<1x512x512xf32, #tpu.memory_space<vmem>>, vector<1x512x512xf32>
      %swap3A_53 = vector.shape_cast %swap3A_52 : vector<1x512x512xf32> to vector<512x512xf32>
      %swap3A_54 = vector.shape_cast %convert_element_type3A_49 : vector<512x512xf32> to vector<1x512x512xf32>
      tpu.vector_store %arg3[%swap3A, %swap3A_50, %swap3A_51], %swap3A_54 {strides = array<i32>} : memref<1x512x512xf32, #tpu.memory_space<vmem>>, vector<1x512x512xf32>,
    } else {
    }
    return
  }
  func.func @transform_0(%arg0: i32) -> i32 {
    %c0_i32 = arith.constant 0 : i32
    %c0_i32_0 = arith.constant 0 : i32
    return %c0_i32 : i32
  }
  func.func @transform_1(%arg0: i32) -> (i32, i32, i32) {
    %jit3A = arith.constant 6 : i32
    %div3A = arith.divsi %arg0, %jit3A : i32
    %sign3A = arith.constant 0 : i32
    %sign3A_0 = arith.cmpi sgt, %arg0, %sign3A : i32
    %sign3A_1 = arith.extui %sign3A_0 : i1 to i32
    %sign3A_2 = arith.constant 0 : i32
    %sign3A_3 = arith.cmpi slt, %arg0, %sign3A_2 : i32
    %sign3A_4 = arith.extui %sign3A_3 : i1 to i32
    %sign3A_5 = arith.subi %sign3A_1, %sign3A_4 : i32
    %sign3A_6 = arith.constant 0 : i32
    %sign3A_7 = arith.cmpi sgt, %jit3A, %sign3A_6 : i32
    %sign3A_8 = arith.extui %sign3A_7 : i1 to i32
    %sign3A_9 = arith.constant 0 : i32
    %sign3A_10 = arith.cmpi slt, %jit3A, %sign3A_9 : i32
    %sign3A_11 = arith.extui %sign3A_10 : i1 to i32
    %sign3A_12 = arith.subi %sign3A_8, %sign3A_11 : i32
    %ne3A = arith.cmpi ne, %sign3A_5, %sign3A_12 : i32
    %rem3A = arith.remsi %arg0, %jit3A : i32
    %ne3A_13 = arith.constant 0 : i32
    %ne3A_14 = arith.cmpi ne, %rem3A, %ne3A_13 : i32
    %and3A = arith.andi %ne3A, %ne3A_14 : i1
    %sub3A = arith.constant 1 : i32
    %sub3A_15 = arith.subi %div3A, %sub3A : i32
    %select_n3A = arith.select %and3A, %sub3A_15, %div3A : i32
    %mul3A = arith.constant 5 : i32
    %mul3A_16 = arith.muli %select_n3A, %mul3A : i32
    %jit3A_17 = arith.constant 6 : i32
    %eq3A = arith.constant 0 : i32
    %eq3A_18 = arith.cmpi eq, %jit3A_17, %eq3A : i32
    %jit3A_19 = arith.constant 1 : i32
    %select_n3A_20 = arith.select %eq3A_18, %jit3A_19, %jit3A_17 : i32
    %rem3A_21 = arith.remsi %arg0, %select_n3A_20 : i32
    %ne3A_22 = arith.constant 0 : i32
    %ne3A_23 = arith.cmpi ne, %rem3A_21, %ne3A_22 : i32
    %lt3A = arith.constant 0 : i32
    %lt3A_24 = arith.cmpi slt, %rem3A_21, %lt3A : i32
    %lt3A_25 = arith.constant 0 : i32
    %lt3A_26 = arith.cmpi slt, %select_n3A_20, %lt3A_25 : i32
    %ne3A_27 = arith.xori %lt3A_24, %lt3A_26 : i1
    %and3A_28 = arith.andi %ne3A_27, %ne3A_23 : i1
    %add3A = arith.addi %rem3A_21, %select_n3A_20 : i32
    %select_n3A_29 = arith.select %and3A_28, %add3A, %rem3A_21 : i32
    %max3A = arith.constant 1 : i32
    %max3A_30 = arith.maxsi %select_n3A_29, %max3A : i32
    %add3A_31 = arith.addi %mul3A_16, %max3A_30 : i32
    %sub3A_32 = arith.constant 1 : i32
    %sub3A_33 = arith.subi %add3A_31, %sub3A_32 : i32
    %c0_i32 = arith.constant 0 : i32
    %c0_i32_34 = arith.constant 0 : i32
    %c0_i32_35 = arith.constant 0 : i32
    return %sub3A_33, %c0_i32, %c0_i32_34 : i32, i32, i32
  }
  func.func @transform_2(%arg0: i32) -> (i32, i32, i32) {
    %c0_i32 = arith.constant 0 : i32
    %c0_i32_0 = arith.constant 0 : i32
    %c0_i32_1 = arith.constant 0 : i32
    return %arg0, %c0_i32, %c0_i32_0 : i32, i32, i32
  }
}

</mosaic_0001>

<sc_bundles>
// kernel: kernel.5.cloned.1.call-start
scs
__scs_entry_jumppad:
0x0: {  	(pc) =	sbr.rel $0x88, $3  }
0x1: {  	(tag) =	ssettag $0x0;
	lr =	simm.s32 $0x1  }
0x2: {  	[smem:$0x3F9D] =	sst lr;
	_ =	strace $0xD0000000  }
0x3: {  	_ = 	snop  }
0x4: {  	_ = 	snop  }
0x5: {  	_ = 	snop  }
0x6: {  	_ = 	snop  }
0x7: {  	_ = 	snop  }
__scs_overlays_trampoline_lowered:
0x8: {  	[smem:$0x3FAC] =	sst s0  }
0x9: {  	[smem:$0x3FAD] =	sst s1  }
0xa: {  	[smem:$0x3FAE] =	sst s2  }
0xb: {  	[smem:$0x3FAF] =	sst s3  }
0xc: {  	[smem:$0x3FB0] =	sst s4  }
0xd: {  	[smem:$0x3FB1] =	sst s5  }
0xe: {  	[smem:$0x3FB2] =	sst s6  }
0xf: {  	[smem:$0x3FB3] =	sst s7  }
0x10: {  	[smem:$0x3FB4] =	sst s8  }
0x11: {  	[smem:$0x3FB5] =	sst s9;
	s0 =	simm.s32 @!p0 $0x0  }
0x12: {  	s1 =	sld [smem:$0x3F9B];
	s0 =	simm.s32 @p0 $0x1  }
0x13: {  	[smem:$0x3FB6] =	sst s0;
	s0 =	simm.s32 @!p1 $0x0  }
0x14: {  	s2 =	sld [smem:$0x3F9A];
	s0 =	simm.s32 @p1 $0x1  }
0x15: {  	[smem:$0x3FB7] =	sst s0;
	s0 =	simm.s32 @!p2 $0x0  }
0x16: {  	s3 =	sld [smem:$0x3FDB];
	s0 =	simm.s32 @p2 $0x1  }
0x17: {  	s4 =	simm.s32 $0x1BF5;
	[smem:$0x3FB9] =	sst s0  }
0x18: {  	s0 =	sld [smem:$0x3F9C];
	_ =	swait.ge [sflag:s4], $0x0  }
0x19: {  	s7 =	sld [smem:$0x3F9D]  }
0x1a: {  	s8 =	sadd.s32 $0xFFFFE003, lr  }
0x1b: {  	s9 =	sadd.s32 $0xFFFFFEF7, lr;
	s5 =	simm.s32 $0xFFFFFFFF;
	p2 =	slt.u32 s8, $0xFFFFF086  }
0x1c: {  	p1 =	slt.u32 s9, $0xF7A;
	s5 =	simm.s32 @!p2 $0x0  }
0x1d: {  	s5 =	simm.s32 @p1 $0x1;
	p0 =	seq.s32 s7, s2  }
0x1e: {  	s7 =	smul.u32 @!p0 $0xF7A, s2;
	p2 =	seq.s32 @!p0 s5, $0x0  }
0x1f: {  	s9 =	smul.u32 $0xF7A, s1;
	s8 =	simm.s32 @!p0 $0x1BF5;
	p2 =	por !p2, p0  }
0x20: {  	[sflag:s8] =	ssyncset.s32 @!p0 $0xFFFFF086;
	s6 =	sadd.s32 @!p0 s3, s7;
	s7 =	simm.s32 @!p0 $0x108  }
0x21: {  	s3 =	sadd.s32 s3, s9;
	s6 =	sadd.s32 @!p0 $0x88, s6;
	s7 =	simm.s32 @p2 $0x1082  }
0x22: {  	[simem:s7], [sflag:s8] =	dma.local @!p0 [hbm:s6], $0xF7A  }
0x23: {  	s9 =	sor.u32 $0xD0000000, s2;
	s6 =	simm.s32 $0x108;
	_ =	swait.ge @!p0 [sflag:s8], $0x0  }
0x24: {  	s3 =	sadd.s32 $0x88, s3;
	s6 =	simm.s32 @!p1 $0x1082;
	[sflag:s4] =	ssyncset.s32 $0xFFFFF086  }
0x25: {  	[simem:s6], [sflag:s4] =	dma.local [hbm:s3], $0xF7A  }
0x26: {  	[smem:$0x3F9D] =	sst s1;
	(tag) =	ssettag s2;
	_ =	strace s9  }
0x27: {  	s1 =	sld [smem:$0x3FAD]  }
0x28: {  	s2 =	sld [smem:$0x3FAE]  }
0x29: {  	s4 =	sld [smem:$0x3FB0]  }
0x2a: {  	p0 =	seq.s32 s5, $0x0;
	s5 =	sld [smem:$0x3FB1]  }
0x2b: {  	s6 =	sld [smem:$0x3FB2]  }
0x2c: {  	s7 =	sld [smem:$0x3FB3]  }
0x2d: {  	s3 =	simm.s32 $0x108;
	s8 =	sld [smem:$0x3FB4]  }
0x2e: {  	s3 =	simm.s32 @!p0 $0x1082;
	s9 =	sld [smem:$0x3FB5]  }
0x2f: {  	lr =	sadd.s32 s0, s3;
	s0 =	sld [smem:$0x3FAC]  }
0x30: {  	s3 =	sld [smem:$0x3FAF]  }
0x31: {  	[smem:$0x3FB8] =	sst s10  }
0x32: {  	s10 =	sld [smem:$0x3FB6];
	_ =	sdelay $0x3  }
0x33: {  	p0 =	seq.s32 s10, $0x1;
	s10 =	sld [smem:$0x3FB8];
	_ =	sdelay $0x3  }
0x34: {  	[smem:$0x3FB8] =	sst s10  }
0x35: {  	s10 =	sld [smem:$0x3FB7];
	_ =	sdelay $0x3  }
0x36: {  	p1 =	seq.s32 s10, $0x1;
	s10 =	sld [smem:$0x3FB8];
	_ =	sdelay $0x3  }
0x37: {  	[smem:$0x3FB8] =	sst s10  }
0x38: {  	s10 =	sld [smem:$0x3FB9]  }
0x39: {  	_ = 	snop;
	(pc) =	sbr.ind lr, $3  }
0x3a: {  	_ = 	snop  }
0x3b: {  	_ = 	snop  }
0x3c: {  	p2 =	seq.s32 s10, $0x1;
	s10 =	sld [smem:$0x3FB8]  }
0x3d: {  	_ =	shalt  }
0x3e: {  	_ =	shalt  }
0x3f: {  	_ =	shalt  }
0x40: {  	_ =	shalt  }
0x41: {  	_ =	shalt  }
0x42: {  	_ =	shalt  }
0x43: {  	_ =	shalt  }
0x44: {  	_ =	shalt  }
0x45: {  	_ =	shalt  }
0x46: {  	_ =	shalt  }
0x47: {  	_ =	shalt  }
0x48: {  	_ =	shalt  }
0x49: {  	_ =	shalt  }
0x4a: {  	_ =	shalt  }
0x4b: {  	_ =	shalt  }
0x4c: {  	_ =	shalt  }
0x4d: {  	_ =	shalt  }
0x4e: {  	_ =	shalt  }
0x4f: {  	_ =	shalt  }
0x50: {  	_ =	shalt  }
0x51: {  	_ =	shalt  }
0x52: {  	_ =	shalt  }
0x53: {  	_ =	shalt  }
0x54: {  	_ =	shalt  }
0x55: {  	_ =	shalt  }
0x56: {  	_ =	shalt  }
0x57: {  	_ =	shalt  }
0x58: {  	_ =	shalt  }
0x59: {  	_ =	shalt  }
0x5a: {  	_ =	shalt  }
0x5b: {  	_ =	shalt  }
0x5c: {  	_ =	shalt  }
0x5d: {  	_ =	shalt  }
0x5e: {  	_ =	shalt  }
0x5f: {  	_ =	shalt  }
0x60: {  	_ =	shalt  }
0x61: {  	_ =	shalt  }
0x62: {  	_ =	shalt  }
0x63: {  	_ =	shalt  }
0x64: {  	_ =	shalt  }
0x65: {  	_ =	shalt  }
0x66: {  	_ =	shalt  }
0x67: {  	_ =	shalt  }
0x68: {  	_ =	shalt  }
0x69: {  	_ =	shalt  }
0x6a: {  	_ =	shalt  }
0x6b: {  	_ =	shalt  }
0x6c: {  	_ =	shalt  }
0x6d: {  	_ =	shalt  }
0x6e: {  	_ =	shalt  }
0x6f: {  	_ =	shalt  }
0x70: {  	_ =	shalt  }
0x71: {  	_ =	shalt  }
0x72: {  	_ =	shalt  }
0x73: {  	_ =	shalt  }
0x74: {  	_ =	shalt  }
0x75: {  	_ =	shalt  }
0x76: {  	_ =	shalt  }
0x77: {  	_ =	shalt  }
0x78: {  	_ =	shalt  }
0x79: {  	_ =	shalt  }
0x7a: {  	_ =	shalt  }
0x7b: {  	_ =	shalt  }
0x7c: {  	_ =	shalt  }
0x7d: {  	_ =	shalt  }
0x7e: {  	_ =	shalt  }
0x7f: {  	_ =	shalt  }
0x80: {  	_ =	shalt  }
0x81: {  	_ =	shalt  }
0x82: {  	_ =	shalt  }
0x83: {  	_ =	shalt  }
0x84: {  	_ =	shalt  }
0x85: {  	_ =	shalt  }
0x86: {  	_ =	shalt  }
0x87: {  	_ =	shalt  }
.Lfunc_end0:
.L_simem_size_0:
called_computation_lowered:
.L_overlay_start_0:
0x88: {  	s2 =	sld [smem:$0x3FD9]  }
0x89: {  	s3 =	sld [smem:$0x3FFE];
	_ =	sdelay $0x1  }
0x8a: {  	s1 =	srdreg.scid  }
0x8b: {  	s0 =	sand.u32 $0x1, s1  }
0x8c: {  	s14 =	sshll.u32 s0, $0xA;
	s2 =	sadd.s32 s3, s2  }
0x8d: {  	s2 =	sadd.s32 s2, s14  }
0x8e: {  	[smem:$0x3FC4] =	sst s2  }
0x8f: {  	_ = 	snop  }
0x90: {  	s2 =	sld [smem:$0x3FD0];
	_ =	sdelay $0x2  }
0x91: {  	s15 =	simm.s32 $0xA;
	s4 =	simm.s32 $0x10  }
0x92: {  	[smem:s4], [sflag:s15] =	dma.local [hbm:s2], $0x1  }
0x93: {  	_ =	swait.eq [sflag:s15], $0x1  }
0x94: {  	[sflag:s15] =	ssyncset.done $0x0  }
0x95: {  	[sflag:s15] =	ssyncadd.s32 $0xFFFFFFFF  }
0x96: {  	s16 =	sld [smem:$0x10];
	(tm) =	ssettm $0x1  }
0x97: {  	s17 =	sld [smem:$0x3FFB];
	_ =	sdelay $0x3  }
0x98: {  	_ =	strace s17  }
0x99: {  	s3 =	sld [smem:$0x3FFC];
	_ =	sdelay $0x3  }
0x9a: {  	_ =	strace s3  }
0x9b: {  	s3 =	sld [smem:$0x3FFD];
	_ =	sdelay $0x3  }
0x9c: {  	_ =	strace s3  }
0x9d: {  	_ =	strace $0x8FFFFFFF  }
0x9e: {  	s18 =	sld [smem:$0x3FDB];
	_ =	sdelay $0x1  }
0x9f: {  	s19 =	simm.s32 $_scs_section_size  }
0xa0: {  	s5 =	simm.s32 $_size__tile_overlayer_lowered;
	s6 =	simm.s32 $_tile_overlayer_lowered  }
0xa1: {  	s22 =	simm.s32 $0x1BFF;
	s21 =	sshll.u32 s6, $0x1;
	s3 =	sadd.s32 s19, s18  }
0xa2: {  	s7 =	simm.s32 $0x0;
	s20 =	sshll.u32 s5, $0x1;
	s5 =	sadd.s32 s21, s3  }
0xa3: {  	[timem:s7], [sflag:s22] =	dma.local [hbm:s5], s20  }
0xa4: {  	_ =	swait.ge [sflag:s22], s20  }
0xa5: {  	s4 =	ssub.s32 $0x0, s20;
	[sflag:s22] =	ssyncset.done $0x0  }
0xa6: {  	[sflag:s22] =	ssyncadd.s32 s4;
	_ =	sdelay $0x1  }
0xa7: {  	s23 =	simm.s32 $0x1B8B  }
0xa8: {  	_ =	swait.ge [sflag:s23], $0x1  }
0xa9: {  	[sflag:s23] =	ssyncset.done $0x0  }
0xaa: {  	s25 =	simm.s32 $0x1B8E;
	s24 =	sld [smem:$0x3FFE];
	[sflag:s23] =	ssyncadd.s32 $0xFFFFFFFF  }
0xab: {  	s26 =	simm.s32 $execute0_lowered;
	[smem:$0x3FD2] =	sst s25  }
0xac: {  	s5 =	sshll.u32 s26, $0x1;
	_ =	strace $0x80000046;
	[dreg:$0x1] =	wrdreg $0xFFFFFFFF  }
0xad: {  	s28 =	simm.s32 $_size_execute0_lowered;
	s3 =	sadd.s32 s3, s5;
	[dreg:$0x0] =	wrdreg $0x0  }
0xae: {  	s5 =	sshll.u32 s28, $0x1;
	[dreg:$0x2] =	wrdreg s3  }
0xaf: {  	[dreg:$0x3] =	wrdreg s5  }
0xb0: {  	[dreg:$0x4] =	wrdreg $0xC0  }
0xb1: {  	_ =	task [dreg:s7], $0x5FFFF  }
0xb2: {  	[dreg:$0x1] =	wrdreg $0xFFFFFFFF  }
0xb3: {  	[dreg:$0x0] =	wrdreg $0x60  }
0xb4: {  	[dreg:$0x2] =	wrdreg s16  }
0xb5: {  	[dreg:$0x3] =	wrdreg s24  }
0xb6: {  	[dreg:$0x4] =	wrdreg $0x9  }
0xb7: {  	_ =	task.clear_ibuf [dreg:s7], $0x5FFFF;
	_ =	strace $0x90000046  }
0xb8: {  	s29 =	simm.s32 $0x9;
	_ =	strace $0x80000048  }
0xb9: {  	_ =	swait.ge [sflag:s29], $0x1  }
0xba: {  	[sflag:s29] =	ssyncadd.s32 $0xFFFFFFFF  }
0xbb: {  	_ =	strace $0x90000048  }
0xbc: {  	_ =	sfence  }
0xbd: {  	s30 =	sld [smem:$0x0];
	_ =	sdelay $0x2  }
0xbe: {  	s31 =	sshll.u32 s1, $0xD;
	s1 =	sshrl.u32 s1, $0x2  }
0xbf: {  	s3 =	sand.u32 $0x4000, s31;
	s1 =	sadd.s32 s1, s30  }
0xc0: {  	s0 =	sor.u32 s3, s0;
	s1 =	sshll.u32 s1, $0x11  }
0xc1: {  	s0 =	sor.u32 s1, s0  }
0xc2: {  	s0 =	sadd.s32 $0x8F2B, s0  }
0xc3: {  	[sflag:s0] =	ssyncadd.remote.s32 $0x1  }
0xc4: {  	_ =	sfence.sel $0xFFFF  }
0xc5: {  	[dreg:$0x0] =	wrdreg $0xFFFFFFFF;
	(pc) =	sbr.abs _section_cstart, $3  }
0xc6: {  	[dreg:$0x1] =	wrdreg $0xFFFFFFFF  }
0xc7: {  	_ =	task.clear_ibuf [dreg:s7], $0x2FFFF;
	_ =	strace $0x9FFFFFFF  }
0xc8: {  	(tm) =	ssettm $0x7FFFFFFF  }
0xc9: {  	_ =	shalt  }
tec
execute0_lowered:
.L_overlay_start_1:
0x0: {  	(tag) =	ssettag $0x1  }
0x1: {  	s0 =	stileid.u32  }
0x2: {  	p0 =	sgt.u32 s0, $0x9  }
.Ltmp0:
0x3: {  	_ = 	snop;
	(pc) =	sbr.rel @p0 .LBB2_25-.Ltmp0, $4  }
0x4: {  	_ = 	snop  }
0x5: {  	s2 =	rddreg [dreg:$0x0];
	s4 =	simm.s32 $0x0  }
0x6: {  	[smem:$0x7FF] =	sst s4  }
0x7: {  	s3 =	rddreg [dreg:$0x1];
	_ =	strace $0x80000047  }
0x8: {  	s0 =	srdreg.scid;
	s1 =	stileid.u32  }
0x9: {  	s11 =	simm.s32 $0x4000;
	s12 =	simm.s32 $0x3;
	s13 =	simm.s32 $0xC000  }
0xa: {  	s14 =	simm.s32 $0x2000;
	s15 =	simm.s32 $0x1;
	s16 =	simm.s32 $0x2  }
0xb: {  	s17 =	simm.s32 $0x1C080;
	s0 =	sand.u32 $0x1, s0;
	s5 =	sshll.u32 s1, $0x1  }
0xc: {  	s18 =	simm.s32 $0x0;
	s5 =	sor.u32 s0, s5;
	s0 =	ssub.s32 $0x2, s0  }
0xd: {  	v0 =	vlaneseq.u32;
	s6 =	sshll.u32 s5, $0x4;
	s31 =	sshll.u32 s5, $0xF;
	s8 =	sshll.u32 s5, $0x12  }
0xe: {  	v1 =	vmul.u32 $0xFFFFFFFF, v0;
	s10 =	sshrl.u32 s0, $0x1;
	s9 =	sadd.s32 s6, s3;
	s5 =	sadd.s32 s2, s31  }
0xf: {  	v2 =	vimm.s32 $0x0;
	s7 =	sor.u32 $0x4000, s8;
	s8 =	sor.u32 $0x6000, s8;
	s0 =	ssub.s32 s0, s10  }
0x10: {  	vm0 =	vcmask $0x300;
	vm1 =	vcmask $0x704;
	v1 =	vadd.s32 $0xF, v1;
	s6 =	sadd.s32 $0x400, s5;
	s9 =	sadd.s32 $0x2200, s9;
	s10 =	smax.u32 s0, $0x1  }
.LBB2_2:
0x11: {  	s19 =	simm.s32 $0x0  }
0x12: {  	[tilespmem:s11], [sflag:$0x3] =	stream.linear.gather [hbm4b:s3+s19], $0x8000, $0x38;
	[tilespmem:$0x1C100] =	vst v63  }
0x13: {  	_ =	swait.ge [sflag:s12], $0x8000  }
0x14: {  	[sflag:s12] =	ssyncset.done $0x0  }
0x15: {  	[sflag:s12] =	ssyncadd.s32 $0xFFFF8000  }
0x16: {  	[tilespmem:s13], [sflag:$0x3] =	stream.linear.gather [hbm4b:s3+s19], $0x10080, $0x38;
	[tilespmem:$0x1C100] =	vst v63  }
0x17: {  	_ =	swait.ge [sflag:s12], $0x10080  }
0x18: {  	[sflag:s12] =	ssyncset.done $0x0  }
0x19: {  	[sflag:s12] =	ssyncadd.s32 $0xFFFEFF80  }
0x1a: {  	[tilespmem:s19], [sflag:$0x1] =	stream.linear.gather [hbm4b:s5+s19], $0x2000, $0x38;
	[tilespmem:$0x1C100] =	vst v63  }
0x1b: {  	s20 =	simm.s32 $0x0  }
0x1c: {  	[tilespmem:s14], [sflag:$0x2] =	stream.linear.gather [hbm4b:s6+s19], $0x2000, $0x38;
	[tilespmem:$0x1C100] =	vst v63  }
.LBB2_3:
0x1d: {  	_ =	swait.ge [sflag:s15], $0x2000;
	s0 =	simm.s32 $0x0  }
0x1e: {  	s21 =	sand.u32 $0xC00, s19;
	s22 =	simm.s32 $0x0;
	s0 =	sand.u32 $0x1000, s0  }
0x1f: {  	[sflag:s15] =	ssyncset.done $0x0;
	s22 =	sand.u32 $0x380, s22;
	s0 =	sor.u32 s21, s0  }
0x20: {  	[sflag:s15] =	ssyncadd.s32 $0xFFFFE000;
	s0 =	sor.u32 s22, s0  }
0x21: {  	v3 =	vld [tilespmem:s0+$0x60];
	_ =	sdelay $0x1  }
0x22: {  	v4 =	vld [tilespmem:s0+$0x0]  }
0x23: {  	v5 =	vld [tilespmem:s0+$0x20];
	_ =	sdelay $0x1  }
0x24: {  	v3 =	vshrl.u32 v3, $0x10  }
0x25: {  	v6 =	vld [tilespmem:s0+$0x40];
	(xrf1) =	vunique.msk.u32 $0xffff, v3  }
0x26: {  	v4 =	vshrl.u32 v4, $0x10  }
0x27: {  	v5 =	vshrl.u32 v5, $0x10;
	(xrf1) =	vunique.msk.u32 $0xffff, v4  }
0x28: {  	s24 =	simm.s32 $0x80;
	s25 =	simm.s32 $0x400;
	(xrf1) =	vunique.msk.u32 $0xffff, v5  }
0x29: {  	s23 =	simm.s32 $0x20;
	s21 =	sand.u32 $0x1000, s24;
	s22 =	sand.u32 $0xC00, s25  }
0x2a: {  	s23 =	sand.u32 $0x380, s23;
	s21 =	sor.u32 s22, s21;
	v6 =	vshrl.u32 v6, $0x10  }
0x2b: {  	s24 =	sor.u32 s23, s21;
	(xrf1) =	vunique.msk.u32 $0xffff, v6  }
0x2c: {  	v7 =	vld [tilespmem:s24+$0x60];
	_ =	sdelay $0x1  }
0x2d: {  	v8 =	vld [tilespmem:s24+$0x0];
	_ =	sdelay $0x2  }
0x2e: {  	v11 =	vshrl.u32 v7, $0x10  }
0x2f: {  	v9 =	vld [tilespmem:s24+$0x20];
	(xrf1) =	vunique.msk.u32 $0xffff, v11  }
0x30: {  	v12 =	vshrl.u32 v8, $0x10;
	_, v10, vm2 =	vpop (xrf1)  }
0x31: {  	(xrf1) =	vunique.msk.u32 $0xffff, v12  }
0x32: {  	_, v7, vm3 =	vpop (xrf1)  }
0x33: {  	_, v8, vm4 =	vpop (xrf1)  }
0x34: {  	v9 =	vshrl.u32 v9, $0x10  }
0x35: {  	v13 =	vld [tilespmem:s24+$0x40];
	(xrf1) =	vunique.msk.u32 $0xffff, v9  }
0x36: {  	_, v14, vm5 =	vpop (xrf1);
	[tilespmem:v3+s11+$0x0] =	vst.idx.add.s32.msk vm2, v10  }
0x37: {  	s26 =	simm.s32 $0x100;
	s28 =	simm.s32 $0x800;
	v3 =	vld [tilespmem:s0+$0x70]  }
0x38: {  	s29 =	simm.s32 $0x40;
	s22 =	sand.u32 $0xC00, s28;
	s21 =	sand.u32 $0x1000, s26;
	[tilespmem:v4+s11+$0x0] =	vst.idx.add.s32.msk vm3, v7  }
0x39: {  	s23 =	sand.u32 $0x380, s29;
	s21 =	sor.u32 s22, s21;
	[tilespmem:v5+s11+$0x0] =	vst.idx.add.s32.msk vm4, v8  }
0x3a: {  	s21 =	sor.u32 s23, s21;
	v10 =	vshrl.u32 v13, $0x10;
	v4 =	vld [tilespmem:s0+$0x10]  }
0x3b: {  	(xrf1) =	vunique.msk.u32 $0xffff, v10;
	v5 =	vld [tilespmem:s21+$0x60]  }
0x3c: {  	[tilespmem:v6+s11+$0x0] =	vst.idx.add.s32.msk vm5, v14;
	v3 =	vshrl.u32 v3, $0x10  }
0x3d: {  	v6 =	vld [tilespmem:s21+$0x0];
	_, v14, vm2 =	vpop (xrf1);
	(xrf1) =	vunique.msk.u32 $0xffff, v3  }
0x3e: {  	v8 =	vld [tilespmem:s21+$0x20]  }
0x3f: {  	v13 =	vld [tilespmem:s21+$0x40];
	_, v16, vm3 =	vpop (xrf1);
	v4 =	vshrl.u32 v4, $0x10  }
0x40: {  	v15 =	vld [tilespmem:s0+$0x30];
	v18 =	vshrl.u32 v5, $0x10;
	(xrf1) =	vunique.msk.u32 $0xffff, v4  }
0x41: {  	v5 =	vld [tilespmem:s0+$0x50];
	(xrf1) =	vunique.msk.u32 $0xffff, v18  }
0x42: {  	s30 =	simm.s32 $0x180;
	s23 =	simm.s32 $0xC00;
	v7 =	vshrl.u32 v6, $0x10  }
0x43: {  	s25 =	simm.s32 $0x60;
	s31 =	sand.u32 $0xC00, s23;
	_, v17, vm4 =	vpop (xrf1);
	s0 =	sand.u32 $0x1000, s30;
	v6 =	vshrl.u32 v8, $0x10;
	[tilespmem:v11+s11+$0x0] =	vst.idx.add.s32.msk vm2, v14;
	(xrf1) =	vunique.msk.u32 $0xffff, v7  }
0x44: {  	s25 =	sand.u32 $0x380, s25;
	v8 =	vshrl.u32 v13, $0x10;
	s0 =	sor.u32 s31, s0;
	v11 =	vld [tilespmem:s24+$0x70];
	(xrf1) =	vunique.msk.u32 $0xffff, v6  }
0x45: {  	v13 =	vshrl.u32 v15, $0x10;
	s22 =	sor.u32 s25, s0;
	[tilespmem:v12+s11+$0x0] =	vst.idx.add.s32.msk vm3, v16;
	(xrf1) =	vunique.msk.u32 $0xffff, v8  }
0x46: {  	v16 =	vld [tilespmem:s22+$0x60];
	v5 =	vshrl.u32 v5, $0x10;
	(xrf1) =	vunique.msk.u32 $0xffff, v13  }
0x47: {  	v19 =	vld [tilespmem:s22+$0x0];
	(xrf1) =	vunique.msk.u32 $0xffff, v5  }
0x48: {  	v20 =	vld [tilespmem:s22+$0x20]  }
0x49: {  	v15 =	vadd.s32 $0x4000, v3;
	[tilespmem:v9+s11+$0x0] =	vst.idx.add.s32.msk vm4, v17;
	v9 =	vadd.s32 $0x4000, v4;
	_, v14, vm2 =	vpop (xrf1)  }
0x4a: {  	v3 =	vand.u32 $0x7F, v3;
	v12 =	vld [tilespmem:s24+$0x10];
	v4 =	vand.u32 $0x7F, v4;
	v9 =	vand.u32 $0x1FF80, v9  }
0x4b: {  	v15 =	vand.u32 $0x1FF80, v15;
	v25 =	vld [tilespmem:s24+$0x30];
	v21 =	vor.u32 v4, v9;
	v9 =	vshrl.u32 v11, $0x10;
	_, v17, vm3 =	vpop (xrf1)  }
0x4c: {  	v15 =	vor.u32 v3, v15;
	v4 =	vadd.s32 $0x4000, v13;
	v11 =	vld [tilespmem:s22+$0x40];
	(xrf1) =	vunique.msk.u32 $0xffff, v9  }
0x4d: {  	v3 =	vand.u32 $0x7F, v13;
	v4 =	vand.u32 $0x1FF80, v4  }
0x4e: {  	v13 =	vadd.s32 $0x4000, v5;
	v3 =	vor.u32 v3, v4;
	v4 =	vand.u32 $0x7F, v5;
	_, v22, vm6 =	vpop (xrf1)  }
0x4f: {  	v5 =	vand.u32 $0x1FF80, v13;
	v13 =	vshrl.u32 v16, $0x10;
	v24 =	vshrl.u32 v12, $0x10;
	[tilespmem:v10+s11+$0x0] =	vst.idx.add.s32.msk vm2, v14;
	_, v23, vm8 =	vpop (xrf1)  }
0x50: {  	v12 =	vshrl.u32 v19, $0x10;
	(xrf1) =	vunique.msk.u32 $0xffff, v24;
	v14 =	vshrl.u32 v20, $0x10;
	v10 =	vand.u32 $0x7F, v24;
	v20 =	vld [tilespmem:s24+$0x50]  }
0x51: {  	(xrf1) =	vunique.msk.u32 $0xffff, v13;
	_, v16, vm4 =	vpop (xrf1);
	[tilespmem:v15+s11+$0x0] =	vst.idx.add.s32.msk vm3, v17;
	v15 =	vshrl.u32 v11, $0x10;
	v11 =	vshrl.u32 v25, $0x10  }
0x52: {  	v4 =	vor.u32 v4, v5;
	v5 =	vadd.s32 $0x4000, v24;
	(xrf1) =	vunique.msk.u32 $0xffff, v12;
	_, v17, vm5 =	vpop (xrf1)  }
0x53: {  	v5 =	vand.u32 $0x1FF80, v5;
	(xrf1) =	vunique.msk.u32 $0xffff, v14;
	_, v19, vm7 =	vpop (xrf1)  }
0x54: {  	v5 =	vor.u32 v10, v5;
	(xrf1) =	vunique.msk.u32 $0xffff, v15;
	[tilespmem:v21+s11+$0x0] =	vst.idx.add.s32.msk vm6, v22;
	_, v10, vm2 =	vpop (xrf1)  }
0x55: {  	s24 =	simm.s32 $0x18;
	v21 =	vadd.s32 $0x4000, v11;
	[tilespmem:v18+s11+$0x0] =	vst.idx.add.s32.msk vm8, v23;
	v18 =	vand.u32 $0x7F, v11;
	(xrf1) =	vunique.msk.u32 $0xffff, v11;
	_, v11, vm3 =	vpop (xrf1)  }
.LBB2_4:
0x56: {  	s24 =	sadd.s32 $0x8, s24;
	v22 =	vld [tilespmem:s21+$0x70];
	v21 =	vand.u32 $0x1FF80, v21;
	v20 =	vshrl.u32 v20, $0x10;
	v23 =	vmov v13  }
0x57: {  	s23 =	sadd.s32 $0x400, s23;
	s0 =	sshll.u32 s24, $0x4;
	p0 =	slt.u32 s24, $0x1F8;
	[tilespmem:v7+s11+$0x0] =	vst.idx.add.s32.msk vm4, v16;
	v13 =	vadd.s32 $0x4000, v20;
	v16 =	vand.u32 $0x7F, v20;
	(xrf1) =	vunique.msk.u32 $0xffff, v20;
	v7 =	vmovc v12  }
0x58: {  	s25 =	sand.u32 $0xC00, s23;
	s26 =	sshll.u32 s24, $0x2;
	v18 =	vor.u32 v18, v21;
	s0 =	sand.u32 $0x1000, s0;
	[tilespmem:v6+s11+$0x0] =	vst.idx.add.s32.msk vm5, v17;
	v12 =	vand.u32 $0x1FF80, v13;
	v6 =	vmov v14  }
0x59: {  	s26 =	sand.u32 $0x380, s26;
	s0 =	sor.u32 s25, s0;
	[tilespmem:v8+s11+$0x0] =	vst.idx.add.s32.msk vm7, v19;
	v21 =	vor.u32 v16, v12;
	v12 =	vadd.s32 $0x4000, v9;
	v8 =	vmov v15  }
0x5a: {  	v14 =	vand.u32 $0x7F, v9;
	s0 =	sor.u32 s26, s0;
	v13 =	vld [tilespmem:s21+$0x10];
	v12 =	vand.u32 $0x1FF80, v12;
	_, v15, vm5 =	vpop (xrf1)  }
0x5b: {  	v16 =	vld [tilespmem:s0+$0x60];
	v9 =	vshrl.u32 v22, $0x10;
	v12 =	vor.u32 v14, v12  }
0x5c: {  	v14 =	vld [tilespmem:s0+$0x0];
	(xrf1) =	vunique.msk.u32 $0xffff, v9  }
0x5d: {  	v19 =	vld [tilespmem:s0+$0x20]  }
0x5e: {  	v22 =	vld [tilespmem:s0+$0x40];
	_, v24, vm8 =	vpop (xrf1)  }
0x5f: {  	_, v25, vm6 =	vpop (xrf1);
	v20 =	vshrl.u32 v13, $0x10;
	v26 =	vld [tilespmem:s21+$0x30]  }
0x60: {  	v13 =	vshrl.u32 v16, $0x10;
	_, v16, vm4 =	vpop (xrf1);
	v27 =	vadd.s32 $0x4000, v20;
	(xrf1) =	vunique.msk.u32 $0xffff, v20;
	[tilespmem:v12+s11+$0x0] =	vst.idx.add.s32.msk vm5, v15  }
.Ltmp1:
0x61: {  	v12 =	vshrl.u32 v14, $0x10;
	(xrf1) =	vunique.msk.u32 $0xffff, v13;
	_, v17, vm5 =	vpop (xrf1);
	v15 =	vand.u32 $0x1FF80, v27;
	v27 =	vand.u32 $0x7F, v20;
	v20 =	vld [tilespmem:s21+$0x50];
	s21 =	smov.u32 s22;
	s22 =	smov.u32 s0;
	(pc) =	sbr.rel @p0 .LBB2_4-.Ltmp1, $4  }
0x62: {  	v14 =	vshrl.u32 v19, $0x10;
	(xrf1) =	vunique.msk.u32 $0xffff, v12;
	_, v19, vm7 =	vpop (xrf1);
	v27 =	vor.u32 v27, v15;
	[tilespmem:v3+s11+$0x0] =	vst.idx.add.s32.msk vm2, v10  }
0x63: {  	v3 =	vmov v18;
	v15 =	vshrl.u32 v22, $0x10;
	(xrf1) =	vunique.msk.u32 $0xffff, v14;
	_, v10, vm2 =	vpop (xrf1);
	[tilespmem:v4+s11+$0x0] =	vst.idx.add.s32.msk vm3, v11  }
0x64: {  	v4 =	vmovc v21;
	(xrf1) =	vunique.msk.u32 $0xffff, v15;
	v22 =	vshrl.u32 v26, $0x10;
	[tilespmem:v5+s11+$0x0] =	vst.idx.add.s32.msk vm8, v24;
	v5 =	vmov v27  }
0x65: {  	[tilespmem:v23+s11+$0x0] =	vst.idx.add.s32.msk vm6, v25;
	v21 =	vadd.s32 $0x4000, v22;
	v18 =	vand.u32 $0x7F, v22;
	(xrf1) =	vunique.msk.u32 $0xffff, v22;
	_, v11, vm3 =	vpop (xrf1)  }
0x66: {  	_ =	sdelay $0x6  }
0x67: {  	_, v22, vm8 =	vpop (xrf1)  }
0x68: {  	v23 =	vld [tilespmem:s21+$0x70];
	_, v24, vm6 =	vpop (xrf1)  }
0x69: {  	[tilespmem:v7+s11+$0x0] =	vst.idx.add.s32.msk vm4, v16;
	_, v7, vm4 =	vpop (xrf1)  }
0x6a: {  	[tilespmem:v6+s11+$0x0] =	vst.idx.add.s32.msk vm5, v17  }
0x6b: {  	[tilespmem:v8+s11+$0x0] =	vst.idx.add.s32.msk vm7, v19;
	_, v6, vm5 =	vpop (xrf1)  }
0x6c: {  	v8 =	vld [tilespmem:s21+$0x10];
	_, v16, vm7 =	vpop (xrf1)  }
0x6d: {  	v17 =	vld [tilespmem:s21+$0x30]  }
0x6e: {  	v25 =	vld [tilespmem:s21+$0x50];
	_, v19, vm9 =	vpop (xrf1)  }
0x6f: {  	[tilespmem:v13+s11+$0x0] =	vst.idx.add.s32.msk vm4, v7  }
0x70: {  	v7 =	vld [tilespmem:s22+$0x70]  }
0x71: {  	v13 =	vshrl.u32 v20, $0x10;
	[tilespmem:v12+s11+$0x0] =	vst.idx.add.s32.msk vm5, v6  }
0x72: {  	(xrf1) =	vunique.msk.u32 $0xffff, v13;
	v6 =	vshrl.u32 v23, $0x10;
	[tilespmem:v14+s11+$0x0] =	vst.idx.add.s32.msk vm7, v16  }
0x73: {  	(xrf1) =	vunique.msk.u32 $0xffff, v6;
	v14 =	vld [tilespmem:s22+$0x10]  }
0x74: {  	[tilespmem:v15+s11+$0x0] =	vst.idx.add.s32.msk vm9, v19  }
0x75: {  	v8 =	vshrl.u32 v8, $0x10;
	v16 =	vld [tilespmem:s22+$0x30]  }
0x76: {  	v12 =	vshrl.u32 v17, $0x10;
	(xrf1) =	vunique.msk.u32 $0xffff, v8;
	v17 =	vld [tilespmem:s22+$0x50]  }
0x77: {  	v15 =	vshrl.u32 v25, $0x10;
	(xrf1) =	vunique.msk.u32 $0xffff, v12  }
0x78: {  	(xrf1) =	vunique.msk.u32 $0xffff, v15;
	v7 =	vshrl.u32 v7, $0x10  }
0x79: {  	(xrf1) =	vunique.msk.u32 $0xffff, v7;
	v14 =	vshrl.u32 v14, $0x10  }
0x7a: {  	v19 =	vadd.s32 $0x4000, v9;
	(xrf1) =	vunique.msk.u32 $0xffff, v14;
	v16 =	vshrl.u32 v16, $0x10  }
0x7b: {  	v20 =	vadd.s32 $0x4000, v13;
	v19 =	vand.u32 $0x1FF80, v19;
	(xrf1) =	vunique.msk.u32 $0xffff, v16;
	v17 =	vshrl.u32 v17, $0x10  }
0x7c: {  	v20 =	vand.u32 $0x1FF80, v20;
	v9 =	vand.u32 $0x7F, v9;
	(xrf1) =	vunique.msk.u32 $0xffff, v17  }
0x7d: {  	v9 =	vor.u32 v9, v19  }
0x7e: {  	v21 =	vand.u32 $0x1FF80, v21  }
0x7f: {  	v18 =	vor.u32 v18, v21;
	v13 =	vand.u32 $0x7F, v13;
	v21 =	vadd.s32 $0x4000, v6;
	_, v19, vm4 =	vpop (xrf1)  }
0x80: {  	v23 =	vadd.s32 $0x4000, v8;
	v13 =	vor.u32 v13, v20;
	v21 =	vand.u32 $0x1FF80, v21;
	_, v20, vm5 =	vpop (xrf1)  }
0x81: {  	v6 =	vand.u32 $0x7F, v6;
	v23 =	vand.u32 $0x1FF80, v23;
	_, v61, vm10 =	vpop (xrf1)  }
0x82: {  	v8 =	vand.u32 $0x7F, v8;
	v6 =	vor.u32 v6, v21;
	[tilespmem:v9+s11+$0x0] =	vst.idx.add.s32.msk vm8, v22;
	v9 =	vadd.s32 $0x4000, v12  }
0x83: {  	[tilespmem:v3+s11+$0x0] =	vst.idx.add.s32.msk vm2, v10;
	v8 =	vor.u32 v8, v23;
	v3 =	vand.u32 $0x1FF80, v9;
	v9 =	vadd.s32 $0x4000, v15  }
0x84: {  	[tilespmem:v4+s11+$0x0] =	vst.idx.add.s32.msk vm3, v11;
	v4 =	vand.u32 $0x7F, v15;
	v23 =	vadd.s32 $0x4000, v7;
	v9 =	vand.u32 $0x1FF80, v9;
	_, v21, vm15 =	vpop (xrf1)  }
0x85: {  	v7 =	vand.u32 $0x7F, v7;
	v11 =	vand.u32 $0x1FF80, v23;
	v12 =	vand.u32 $0x7F, v12;
	_, v22, vm7 =	vpop (xrf1)  }
0x86: {  	[tilespmem:v5+s11+$0x0] =	vst.idx.add.s32.msk vm6, v24;
	v5 =	vadd.s32 $0x4000, v14;
	v3 =	vor.u32 v12, v3;
	v12 =	vadd.s32 $0x4000, v17;
	_, v10, vm2 =	vpop (xrf1)  }
0x87: {  	v5 =	vand.u32 $0x1FF80, v5;
	v4 =	vor.u32 v4, v9;
	_, v15, vm3 =	vpop (xrf1);
	[tilespmem:v6+s11+$0x0] =	vst.idx.add.s32.msk vm10, v61;
	v6 =	vand.u32 $0x7F, v14  }
0x88: {  	v7 =	vor.u32 v7, v11;
	[tilespmem:v18+s11+$0x0] =	vst.idx.add.s32.msk vm4, v19;
	_, v9, vm4 =	vpop (xrf1);
	v5 =	vor.u32 v6, v5;
	v6 =	vadd.s32 $0x4000, v16  }
0x89: {  	v11 =	vand.u32 $0x7F, v16;
	[tilespmem:v13+s11+$0x0] =	vst.idx.add.s32.msk vm5, v20;
	_, v13, vm5 =	vpop (xrf1);
	v6 =	vand.u32 $0x1FF80, v6  }
0x8a: {  	[tilespmem:v8+s11+$0x0] =	vst.idx.add.s32.msk vm15, v21;
	v8 =	vand.u32 $0x7F, v17;
	v6 =	vor.u32 v11, v6;
	v11 =	vand.u32 $0x1FF80, v12;
	_, v12, vm6 =	vpop (xrf1)  }
0x8b: {  	[tilespmem:v3+s11+$0x0] =	vst.idx.add.s32.msk vm7, v22;
	v8 =	vor.u32 v8, v11  }
0x8c: {  	[tilespmem:v4+s11+$0x0] =	vst.idx.add.s32.msk vm2, v10  }
0x8d: {  	p0 =	seq.s32 s20, $0xF;
	s21 =	sshll.u32 s20, $0xE;
	[tilespmem:v7+s11+$0x0] =	vst.idx.add.s32.msk vm3, v15  }
0x8e: {  	s0 =	sadd.s32 @!p0 s21, s7;
	[tilespmem:v5+s11+$0x0] =	vst.idx.add.s32.msk vm4, v9  }
0x8f: {  	s0 =	sshrl.u32 @!p0 s0, $0x3;
	[tilespmem:v6+s11+$0x0] =	vst.idx.add.s32.msk vm5, v13  }
0x90: {  	s23 =	simm.s32 $0x0;
	s0 =	sadd.s32 @!p0 s2, s0;
	s22 =	simm.s32 @!p0 $0x0;
	[tilespmem:v8+s11+$0x0] =	vst.idx.add.s32.msk vm6, v12  }
0x91: {  	[tilespmem:s22], [sflag:$0x1] =	stream.linear.gather @!p0 [hbm4b:s0+s22], $0x2000, $0x38;
	[tilespmem:$0x1C100] =	vst v63  }
0x92: {  	s1 =	simm.s32 $0x0;
	s22 =	sand.u32 $0x1000, s23  }
0x93: {  	s0 =	sand.u32 $0xC00, s1;
	s23 =	simm.s32 $0x0;
	_ =	swait.ge [sflag:s16], $0x2000  }
0x94: {  	s23 =	sand.u32 $0x380, s23;
	s0 =	sor.u32 s0, s22;
	[sflag:s16] =	ssyncset.done $0x0  }
0x95: {  	s0 =	sor.u32 s23, s0;
	[sflag:s16] =	ssyncadd.s32 $0xFFFFE000  }
0x96: {  	v3 =	vld [tilespmem:s0+$0x2060];
	_ =	sdelay $0x1  }
0x97: {  	v4 =	vld [tilespmem:s0+$0x2000]  }
0x98: {  	v5 =	vld [tilespmem:s0+$0x2020];
	_ =	sdelay $0x1  }
0x99: {  	v3 =	vshrl.u32 v3, $0x10  }
0x9a: {  	v6 =	vld [tilespmem:s0+$0x2040];
	(xrf1) =	vunique.msk.u32 $0xffff, v3  }
0x9b: {  	v4 =	vshrl.u32 v4, $0x10  }
0x9c: {  	v5 =	vshrl.u32 v5, $0x10;
	(xrf1) =	vunique.msk.u32 $0xffff, v4  }
0x9d: {  	s24 =	simm.s32 $0x80;
	s25 =	simm.s32 $0x400;
	(xrf1) =	vunique.msk.u32 $0xffff, v5  }
0x9e: {  	s22 =	sand.u32 $0x1000, s24;
	s24 =	simm.s32 $0x20;
	s23 =	sand.u32 $0xC00, s25  }
0x9f: {  	s24 =	sand.u32 $0x380, s24;
	s22 =	sor.u32 s23, s22;
	v6 =	vshrl.u32 v6, $0x10  }
0xa0: {  	s25 =	sor.u32 s24, s22;
	(xrf1) =	vunique.msk.u32 $0xffff, v6  }
0xa1: {  	v7 =	vld [tilespmem:s25+$0x2060];
	_ =	sdelay $0x1  }
0xa2: {  	v8 =	vld [tilespmem:s25+$0x2000];
	_ =	sdelay $0x2  }
0xa3: {  	v11 =	vshrl.u32 v7, $0x10  }
0xa4: {  	v9 =	vld [tilespmem:s25+$0x2020];
	(xrf1) =	vunique.msk.u32 $0xffff, v11  }
0xa5: {  	v12 =	vshrl.u32 v8, $0x10;
	_, v10, vm2 =	vpop (xrf1)  }
0xa6: {  	(xrf1) =	vunique.msk.u32 $0xffff, v12  }
0xa7: {  	_, v7, vm3 =	vpop (xrf1)  }
0xa8: {  	_, v8, vm4 =	vpop (xrf1)  }
0xa9: {  	v9 =	vshrl.u32 v9, $0x10  }
0xaa: {  	v13 =	vld [tilespmem:s25+$0x2040];
	(xrf1) =	vunique.msk.u32 $0xffff, v9  }
0xab: {  	_, v14, vm5 =	vpop (xrf1);
	[tilespmem:v3+s11+$0x0] =	vst.idx.add.s32.msk vm2, v10  }
0xac: {  	s26 =	simm.s32 $0x100;
	s28 =	simm.s32 $0x800;
	v3 =	vld [tilespmem:s0+$0x2070]  }
0xad: {  	s29 =	simm.s32 $0x40;
	s23 =	sand.u32 $0xC00, s28;
	s22 =	sand.u32 $0x1000, s26;
	[tilespmem:v4+s11+$0x0] =	vst.idx.add.s32.msk vm3, v7  }
0xae: {  	s24 =	sand.u32 $0x380, s29;
	s22 =	sor.u32 s23, s22;
	[tilespmem:v5+s11+$0x0] =	vst.idx.add.s32.msk vm4, v8  }
0xaf: {  	s22 =	sor.u32 s24, s22;
	v10 =	vshrl.u32 v13, $0x10;
	v4 =	vld [tilespmem:s0+$0x2010]  }
0xb0: {  	(xrf1) =	vunique.msk.u32 $0xffff, v10;
	v5 =	vld [tilespmem:s22+$0x2060]  }
0xb1: {  	[tilespmem:v6+s11+$0x0] =	vst.idx.add.s32.msk vm5, v14;
	v3 =	vshrl.u32 v3, $0x10  }
0xb2: {  	v6 =	vld [tilespmem:s22+$0x2000];
	_, v14, vm2 =	vpop (xrf1);
	(xrf1) =	vunique.msk.u32 $0xffff, v3  }
0xb3: {  	v8 =	vld [tilespmem:s22+$0x2020]  }
0xb4: {  	v13 =	vld [tilespmem:s22+$0x2040];
	_, v16, vm3 =	vpop (xrf1);
	v4 =	vshrl.u32 v4, $0x10  }
0xb5: {  	v15 =	vld [tilespmem:s0+$0x2030];
	v17 =	vshrl.u32 v5, $0x10;
	(xrf1) =	vunique.msk.u32 $0xffff, v4  }
0xb6: {  	v5 =	vld [tilespmem:s0+$0x2050];
	(xrf1) =	vunique.msk.u32 $0xffff, v17  }
0xb7: {  	s30 =	simm.s32 $0x180;
	s24 =	simm.s32 $0xC00;
	v7 =	vshrl.u32 v6, $0x10  }
0xb8: {  	s26 =	simm.s32 $0x60;
	s31 =	sand.u32 $0xC00, s24;
	_, v18, vm4 =	vpop (xrf1);
	s0 =	sand.u32 $0x1000, s30;
	v6 =	vshrl.u32 v8, $0x10;
	[tilespmem:v11+s11+$0x0] =	vst.idx.add.s32.msk vm2, v14;
	(xrf1) =	vunique.msk.u32 $0xffff, v7  }
0xb9: {  	s26 =	sand.u32 $0x380, s26;
	v8 =	vshrl.u32 v13, $0x10;
	s0 =	sor.u32 s31, s0;
	v11 =	vld [tilespmem:s25+$0x2070];
	(xrf1) =	vunique.msk.u32 $0xffff, v6  }
0xba: {  	v13 =	vshrl.u32 v15, $0x10;
	s23 =	sor.u32 s26, s0;
	[tilespmem:v12+s11+$0x0] =	vst.idx.add.s32.msk vm3, v16;
	(xrf1) =	vunique.msk.u32 $0xffff, v8  }
0xbb: {  	v16 =	vld [tilespmem:s23+$0x2060];
	v5 =	vshrl.u32 v5, $0x10;
	(xrf1) =	vunique.msk.u32 $0xffff, v13  }
0xbc: {  	v19 =	vld [tilespmem:s23+$0x2000];
	(xrf1) =	vunique.msk.u32 $0xffff, v5  }
0xbd: {  	v20 =	vld [tilespmem:s23+$0x2020]  }
0xbe: {  	v15 =	vadd.s32 $0x4000, v3;
	[tilespmem:v9+s11+$0x0] =	vst.idx.add.s32.msk vm4, v18;
	v9 =	vadd.s32 $0x4000, v4;
	_, v14, vm2 =	vpop (xrf1)  }
0xbf: {  	v3 =	vand.u32 $0x7F, v3;
	v12 =	vld [tilespmem:s25+$0x2010];
	v4 =	vand.u32 $0x7F, v4;
	v9 =	vand.u32 $0x1FF80, v9  }
0xc0: {  	v15 =	vand.u32 $0x1FF80, v15;
	v63 =	vld [tilespmem:s25+$0x2030];
	v21 =	vor.u32 v4, v9;
	v9 =	vshrl.u32 v11, $0x10;
	_, v18, vm3 =	vpop (xrf1)  }
0xc1: {  	v15 =	vor.u32 v3, v15;
	v4 =	vadd.s32 $0x4000, v13;
	v11 =	vld [tilespmem:s23+$0x2040];
	(xrf1) =	vunique.msk.u32 $0xffff, v9  }
0xc2: {  	v3 =	vand.u32 $0x7F, v13;
	v4 =	vand.u32 $0x1FF80, v4  }
0xc3: {  	v13 =	vadd.s32 $0x4000, v5;
	v3 =	vor.u32 v3, v4;
	v4 =	vand.u32 $0x7F, v5;
	_, v22, vm6 =	vpop (xrf1)  }
0xc4: {  	v5 =	vand.u32 $0x1FF80, v13;
	v13 =	vshrl.u32 v16, $0x10;
	v62 =	vshrl.u32 v12, $0x10;
	[tilespmem:v10+s11+$0x0] =	vst.idx.add.s32.msk vm2, v14;
	_, v23, vm8 =	vpop (xrf1)  }
0xc5: {  	v12 =	vshrl.u32 v19, $0x10;
	(xrf1) =	vunique.msk.u32 $0xffff, v62;
	v14 =	vshrl.u32 v20, $0x10;
	v10 =	vand.u32 $0x7F, v62;
	v20 =	vld [tilespmem:s25+$0x2050]  }
0xc6: {  	(xrf1) =	vunique.msk.u32 $0xffff, v13;
	_, v16, vm4 =	vpop (xrf1);
	[tilespmem:v15+s11+$0x0] =	vst.idx.add.s32.msk vm3, v18;
	v15 =	vshrl.u32 v11, $0x10;
	v11 =	vshrl.u32 v63, $0x10  }
0xc7: {  	v4 =	vor.u32 v4, v5;
	v5 =	vadd.s32 $0x4000, v62;
	(xrf1) =	vunique.msk.u32 $0xffff, v12;
	_, v18, vm5 =	vpop (xrf1)  }
0xc8: {  	v5 =	vand.u32 $0x1FF80, v5;
	(xrf1) =	vunique.msk.u32 $0xffff, v14;
	_, v19, vm7 =	vpop (xrf1)  }
0xc9: {  	v5 =	vor.u32 v10, v5;
	(xrf1) =	vunique.msk.u32 $0xffff, v15;
	[tilespmem:v21+s11+$0x0] =	vst.idx.add.s32.msk vm6, v22;
	_, v10, vm2 =	vpop (xrf1)  }
0xca: {  	s25 =	simm.s32 $0x18;
	v21 =	vadd.s32 $0x4000, v11;
	[tilespmem:v17+s11+$0x0] =	vst.idx.add.s32.msk vm8, v23;
	v17 =	vand.u32 $0x7F, v11;
	(xrf1) =	vunique.msk.u32 $0xffff, v11;
	_, v11, vm3 =	vpop (xrf1)  }
.LBB2_6:
0xcb: {  	s25 =	sadd.s32 $0x8, s25;
	v22 =	vld [tilespmem:s22+$0x2070];
	v21 =	vand.u32 $0x1FF80, v21;
	v20 =	vshrl.u32 v20, $0x10;
	v23 =	vmov v13  }
0xcc: {  	s24 =	sadd.s32 $0x400, s24;
	s0 =	sshll.u32 s25, $0x4;
	p1 =	slt.u32 s25, $0x1F8;
	[tilespmem:v7+s11+$0x0] =	vst.idx.add.s32.msk vm4, v16;
	v13 =	vadd.s32 $0x4000, v20;
	v16 =	vand.u32 $0x7F, v20;
	(xrf1) =	vunique.msk.u32 $0xffff, v20;
	v7 =	vmovc v12  }
0xcd: {  	s26 =	sand.u32 $0xC00, s24;
	s28 =	sshll.u32 s25, $0x2;
	v17 =	vor.u32 v17, v21;
	s0 =	sand.u32 $0x1000, s0;
	[tilespmem:v6+s11+$0x0] =	vst.idx.add.s32.msk vm5, v18;
	v12 =	vand.u32 $0x1FF80, v13;
	v6 =	vmov v14  }
0xce: {  	s28 =	sand.u32 $0x380, s28;
	s0 =	sor.u32 s26, s0;
	[tilespmem:v8+s11+$0x0] =	vst.idx.add.s32.msk vm7, v19;
	v21 =	vor.u32 v16, v12;
	v12 =	vadd.s32 $0x4000, v9;
	v8 =	vmov v15  }
0xcf: {  	v14 =	vand.u32 $0x7F, v9;
	s0 =	sor.u32 s28, s0;
	v13 =	vld [tilespmem:s22+$0x2010];
	v12 =	vand.u32 $0x1FF80, v12;
	_, v15, vm5 =	vpop (xrf1)  }
0xd0: {  	v16 =	vld [tilespmem:s0+$0x2060];
	v9 =	vshrl.u32 v22, $0x10;
	v12 =	vor.u32 v14, v12  }
0xd1: {  	v14 =	vld [tilespmem:s0+$0x2000];
	(xrf1) =	vunique.msk.u32 $0xffff, v9  }
0xd2: {  	v19 =	vld [tilespmem:s0+$0x2020]  }
0xd3: {  	v22 =	vld [tilespmem:s0+$0x2040];
	_, v24, vm8 =	vpop (xrf1)  }
0xd4: {  	_, v25, vm6 =	vpop (xrf1);
	v20 =	vshrl.u32 v13, $0x10;
	v26 =	vld [tilespmem:s22+$0x2030]  }
0xd5: {  	v13 =	vshrl.u32 v16, $0x10;
	_, v16, vm4 =	vpop (xrf1);
	v27 =	vadd.s32 $0x4000, v20;
	(xrf1) =	vunique.msk.u32 $0xffff, v20;
	[tilespmem:v12+s11+$0x0] =	vst.idx.add.s32.msk vm5, v15  }
.Ltmp2:
0xd6: {  	v12 =	vshrl.u32 v14, $0x10;
	(xrf1) =	vunique.msk.u32 $0xffff, v13;
	_, v18, vm5 =	vpop (xrf1);
	v15 =	vand.u32 $0x1FF80, v27;
	v27 =	vand.u32 $0x7F, v20;
	v20 =	vld [tilespmem:s22+$0x2050];
	s22 =	smov.u32 s23;
	s23 =	smov.u32 s0;
	(pc) =	sbr.rel @p1 .LBB2_6-.Ltmp2, $4  }
0xd7: {  	v14 =	vshrl.u32 v19, $0x10;
	(xrf1) =	vunique.msk.u32 $0xffff, v12;
	_, v19, vm7 =	vpop (xrf1);
	v27 =	vor.u32 v27, v15;
	[tilespmem:v3+s11+$0x0] =	vst.idx.add.s32.msk vm2, v10  }
0xd8: {  	v3 =	vmov v17;
	v15 =	vshrl.u32 v22, $0x10;
	(xrf1) =	vunique.msk.u32 $0xffff, v14;
	_, v10, vm2 =	vpop (xrf1);
	[tilespmem:v4+s11+$0x0] =	vst.idx.add.s32.msk vm3, v11  }
0xd9: {  	v4 =	vmovc v21;
	(xrf1) =	vunique.msk.u32 $0xffff, v15;
	v22 =	vshrl.u32 v26, $0x10;
	[tilespmem:v5+s11+$0x0] =	vst.idx.add.s32.msk vm8, v24;
	v5 =	vmov v27  }
0xda: {  	[tilespmem:v23+s11+$0x0] =	vst.idx.add.s32.msk vm6, v25;
	v21 =	vadd.s32 $0x4000, v22;
	v17 =	vand.u32 $0x7F, v22;
	(xrf1) =	vunique.msk.u32 $0xffff, v22;
	_, v11, vm3 =	vpop (xrf1)  }
0xdb: {  	_ =	sdelay $0x6  }
0xdc: {  	_, v22, vm8 =	vpop (xrf1)  }
0xdd: {  	v23 =	vld [tilespmem:s22+$0x2070];
	_, v24, vm6 =	vpop (xrf1)  }
0xde: {  	[tilespmem:v7+s11+$0x0] =	vst.idx.add.s32.msk vm4, v16;
	_, v7, vm4 =	vpop (xrf1)  }
0xdf: {  	[tilespmem:v6+s11+$0x0] =	vst.idx.add.s32.msk vm5, v18  }
0xe0: {  	[tilespmem:v8+s11+$0x0] =	vst.idx.add.s32.msk vm7, v19;
	_, v6, vm5 =	vpop (xrf1)  }
0xe1: {  	v31 =	vld [tilespmem:s22+$0x2010];
	_, v32, vm13 =	vpop (xrf1)  }
0xe2: {  	v18 =	vld [tilespmem:s22+$0x2030]  }
0xe3: {  	v25 =	vld [tilespmem:s22+$0x2050];
	_, v33, vm9 =	vpop (xrf1)  }
0xe4: {  	[tilespmem:v13+s11+$0x0] =	vst.idx.add.s32.msk vm4, v7  }
0xe5: {  	v7 =	vld [tilespmem:s23+$0x2070]  }
0xe6: {  	[tilespmem:v12+s11+$0x0] =	vst.idx.add.s32.msk vm5, v6  }
0xe7: {  	[tilespmem:v14+s11+$0x0] =	vst.idx.add.s32.msk vm13, v32  }
0xe8: {  	v34 =	vshrl.u32 v20, $0x10;
	v37 =	vld [tilespmem:s23+$0x2010]  }
0xe9: {  	(xrf1) =	vunique.msk.u32 $0xffff, v34;
	v35 =	vshrl.u32 v23, $0x10;
	[tilespmem:v15+s11+$0x0] =	vst.idx.add.s32.msk vm9, v33  }
0xea: {  	v8 =	vshrl.u32 v31, $0x10;
	(xrf1) =	vunique.msk.u32 $0xffff, v35;
	v16 =	vld [tilespmem:s23+$0x2030]  }
0xeb: {  	v36 =	vshrl.u32 v18, $0x10;
	(xrf1) =	vunique.msk.u32 $0xffff, v8;
	v39 =	vld [tilespmem:s23+$0x2050]  }
0xec: {  	v38 =	vshrl.u32 v25, $0x10;
	(xrf1) =	vunique.msk.u32 $0xffff, v36  }
0xed: {  	(xrf1) =	vunique.msk.u32 $0xffff, v38;
	v7 =	vshrl.u32 v7, $0x10  }
0xee: {  	(xrf1) =	vunique.msk.u32 $0xffff, v7;
	v14 =	vshrl.u32 v37, $0x10  }
0xef: {  	(xrf1) =	vunique.msk.u32 $0xffff, v14;
	v16 =	vshrl.u32 v16, $0x10  }
0xf0: {  	(xrf1) =	vunique.msk.u32 $0xffff, v16;
	v18 =	vshrl.u32 v39, $0x10  }
0xf1: {  	(xrf1) =	vunique.msk.u32 $0xffff, v18  }
0xf2: {  	v40 =	vadd.s32 $0x4000, v9;
	v41 =	vand.u32 $0x7F, v9  }
0xf3: {  	v21 =	vand.u32 $0x1FF80, v21;
	v19 =	vand.u32 $0x1FF80, v40;
	v20 =	vadd.s32 $0x4000, v34  }
0xf4: {  	v17 =	vor.u32 v17, v21;
	v9 =	vor.u32 v41, v19;
	v20 =	vand.u32 $0x1FF80, v20  }
0xf5: {  	v44 =	vadd.s32 $0x4000, v35;
	v45 =	vadd.s32 $0x4000, v8;
	v48 =	vadd.s32 $0x4000, v36  }
0xf6: {  	v50 =	vadd.s32 $0x4000, v38;
	v52 =	vand.u32 $0x7F, v38;
	v21 =	vand.u32 $0x1FF80, v45;
	_, v42, vm14 =	vpop (xrf1)  }
0xf7: {  	[tilespmem:v3+s11+$0x0] =	vst.idx.add.s32.msk vm2, v10;
	v3 =	vand.u32 $0x1FF80, v48;
	v8 =	vand.u32 $0x7F, v8;
	v13 =	vand.u32 $0x7F, v34;
	_, v43, vm15 =	vpop (xrf1)  }
0xf8: {  	v13 =	vor.u32 v13, v20;
	v20 =	vand.u32 $0x1FF80, v44;
	v6 =	vand.u32 $0x7F, v35;
	_, v46, vm10 =	vpop (xrf1)  }
0xf9: {  	[tilespmem:v9+s11+$0x0] =	vst.idx.add.s32.msk vm8, v22;
	v8 =	vor.u32 v8, v21;
	v9 =	vand.u32 $0x1FF80, v50;
	v6 =	vor.u32 v6, v20;
	_, v47, vm12 =	vpop (xrf1)  }
0xfa: {  	[tilespmem:v4+s11+$0x0] =	vst.idx.add.s32.msk vm3, v11;
	v4 =	vor.u32 v52, v9;
	v12 =	vand.u32 $0x7F, v36;
	v51 =	vadd.s32 $0x4000, v7;
	_, v49, vm13 =	vpop (xrf1)  }
0xfb: {  	[tilespmem:v5+s11+$0x0] =	vst.idx.add.s32.msk vm6, v24;
	v3 =	vor.u32 v12, v3;
	v7 =	vand.u32 $0x7F, v7;
	v53 =	vand.u32 $0x1FF80, v51;
	_, v10, vm2 =	vpop (xrf1)  }
0xfc: {  	[tilespmem:v17+s11+$0x0] =	vst.idx.add.s32.msk vm14, v42;
	v55 =	vadd.s32 $0x4000, v14;
	v56 =	vand.u32 $0x7F, v14;
	v7 =	vor.u32 v7, v53;
	_, v54, vm3 =	vpop (xrf1)  }
0xfd: {  	v5 =	vand.u32 $0x1FF80, v55;
	v57 =	vadd.s32 $0x4000, v16;
	[tilespmem:v13+s11+$0x0] =	vst.idx.add.s32.msk vm15, v43;
	v59 =	vand.u32 $0x7F, v16;
	_, v58, vm14 =	vpop (xrf1)  }
0xfe: {  	v5 =	vor.u32 v56, v5;
	v60 =	vadd.s32 $0x4000, v18;
	[tilespmem:v6+s11+$0x0] =	vst.idx.add.s32.msk vm10, v46;
	v6 =	vand.u32 $0x1FF80, v57;
	_, v13, vm5 =	vpop (xrf1)  }
0xff: {  	v61 =	vand.u32 $0x7F, v18;
	v62 =	vand.u32 $0x1FF80, v60;
	[tilespmem:v8+s11+$0x0] =	vst.idx.add.s32.msk vm12, v47;
	v6 =	vor.u32 v59, v6;
	_, v63, vm15 =	vpop (xrf1)  }
0x100: {  	v8 =	vor.u32 v61, v62;
	[tilespmem:v3+s11+$0x0] =	vst.idx.add.s32.msk vm13, v49  }
.Ltmp3:
0x101: {  	[tilespmem:v4+s11+$0x0] =	vst.idx.add.s32.msk vm2, v10;
	(pc) =	sbr.rel @p0 .LBB2_8-.Ltmp3, $4  }
0x102: {  	[tilespmem:v7+s11+$0x0] =	vst.idx.add.s32.msk vm3, v54  }
0x103: {  	[tilespmem:v5+s11+$0x0] =	vst.idx.add.s32.msk vm14, v58  }
0x104: {  	[tilespmem:v6+s11+$0x0] =	vst.idx.add.s32.msk vm5, v13  }
0x105: {  	[tilespmem:v8+s11+$0x0] =	vst.idx.add.s32.msk vm15, v63  }
.Ltmp4:
0x106: {  	(pc) =	sbr.rel .LBB2_3-.Ltmp4, $4  }
0x107: {  	s0 =	sadd.s32 s21, s8  }
0x108: {  	s0 =	sshrl.u32 s0, $0x3  }
0x109: {  	s20 =	sadd.s32 $0x1, s20;
	s0 =	sadd.s32 s2, s0  }
0x10a: {  	[tilespmem:s14], [sflag:$0x2] =	stream.linear.gather [hbm4b:s0+s4], $0x2000, $0x38;
	[tilespmem:$0x1C100] =	vst v63  }
.LBB2_8:
0x10b: {  	s0 =	simm.s32 $0x0  }
0x10c: {  	v3 =	vld [tilespmem:s0+$0x7FE0]  }
0x10d: {  	v4 =	vld [tilespmem:s0+$0xBFE0]  }
0x10e: {  	v5 =	vld [tilespmem:s0+$0xBFD0]  }
0x10f: {  	v6 =	vld [tilespmem:s0+$0x7FC0]  }
0x110: {  	v7 =	vld [tilespmem:s0+$0xBFC0]  }
0x111: {  	v8 =	vld [tilespmem:s0+$0x7FD0];
	_ =	sdelay $0x1  }
0x112: {  	s20 =	simm.s32 $0xFFFFFFC0  }
0x113: {  	v9 =	vld [tilespmem:s20+$0x7FC0];
	v3 =	vadd.s32 v3, v4  }
0x114: {  	v11 =	vld [tilespmem:s20+$0xBFC0];
	v6 =	vadd.s32 v6, v7;
	(xrf0) =	vadd.scan.msk.s32 $0xffff, v3  }
0x115: {  	s31 =	simm.s32 $0xFFFFFF80;
	v13 =	vld [tilespmem:s20+$0xBFF0];
	v3 =	vadd.s32 v8, v5;
	(xrf0) =	vadd.scan.msk.s32 $0xffff, v6  }
0x116: {  	v60 =	vld [tilespmem:s31+$0x7FE0];
	(xrf0) =	vadd.scan.msk.s32 $0xffff, v3  }
0x117: {  	v4 =	vld [tilespmem:s0+$0xBFF0]  }
0x118: {  	v5 =	vld [tilespmem:s0+$0x7FF0]  }
0x119: {  	v6 =	vld [tilespmem:s20+$0x7FE0]  }
0x11a: {  	v3 =	vld [tilespmem:s20+$0xBFE0];
	v10, _, _ =	vpop (xrf0)  }
0x11b: {  	v7 =	vld [tilespmem:s20+$0xBFD0];
	v12, _, _ =	vpop (xrf0)  }
0x11c: {  	v8 =	vld [tilespmem:s20+$0x7FD0];
	(v2sf) =	vpush v10, $0xF;
	v10, _, _ =	vpop (xrf0)  }
0x11d: {  	v4 =	vadd.s32 v5, v4;
	v5 =	vld [tilespmem:s31+$0xBFE0];
	(v2sf) =	vpush v10, $0xF  }
0x11e: {  	v10 =	vld [tilespmem:s20+$0x7FF0]  }
0x11f: {  	(xrf0) =	vadd.scan.msk.s32 $0xffff, v4;
	v3 =	vadd.s32 v6, v3  }
0x120: {  	v6 =	vadd.s32 v9, v11;
	(xrf0) =	vadd.scan.msk.s32 $0xffff, v3  }
0x121: {  	v3 =	vadd.s32 v8, v7;
	(xrf0) =	vadd.scan.msk.s32 $0xffff, v6  }
0x122: {  	(v2sf) =	vpush v12, $0xF;
	(xrf0) =	vadd.scan.msk.s32 $0xffff, v3  }
0x123: {  	v5 =	vadd.s32 v60, v5;
	v3 =	vadd.s32 v10, v13  }
0x124: {  	v4 =	vld [tilespmem:s31+$0x7FC0];
	(xrf0) =	vadd.scan.msk.s32 $0xffff, v3  }
0x125: {  	v9 =	vld [tilespmem:s31+$0xBFC0];
	v11, _, _ =	vpop (xrf0);
	(xrf0) =	vadd.scan.msk.s32 $0xffff, v5  }
0x126: {  	v7 =	vld [tilespmem:s31+$0xBFD0];
	(v2sf) =	vpush v11, $0xF;
	v5, _, _ =	vpop (xrf0)  }
0x127: {  	v6 =	vld [tilespmem:s31+$0x7FD0];
	v61, _, _ =	vpop (xrf0)  }
0x128: {  	v8 =	vld [tilespmem:s31+$0xBFF0];
	(v2sf) =	vpush v5, $0xF;
	v5, _, _ =	vpop (xrf0)  }
0x129: {  	s22 =	simm.s32 $0xFFFFFF40;
	v10 =	vld [tilespmem:s31+$0x7FF0];
	(v2sf) =	vpush v5, $0xF  }
0x12a: {  	v4 =	vadd.s32 v4, v9;
	v9 =	vld [tilespmem:s22+$0xBFD0];
	(v2sf) =	vpush v61, $0xF;
	v62, _, _ =	vpop (xrf0)  }
0x12b: {  	v11 =	vld [tilespmem:s22+$0x7FD0];
	(xrf0) =	vadd.scan.msk.s32 $0xffff, v4;
	s24 =	spop (v2sf);
	(v2sf) =	vpush v62, $0xF;
	v63, _, _ =	vpop (xrf0)  }
0x12c: {  	v6 =	vadd.s32 v6, v7;
	v7 =	vld [tilespmem:s22+$0xBFC0];
	s26 =	spop (v2sf);
	(v2sf) =	vpush v63, $0xF  }
0x12d: {  	v3 =	vld [tilespmem:s22+$0x7FE0];
	(xrf0) =	vadd.scan.msk.s32 $0xffff, v6  }
0x12e: {  	v4 =	vld [tilespmem:s22+$0xBFE0];
	v8 =	vadd.s32 v10, v8  }
0x12f: {  	s19 =	simm.s32 $0xFFFFFFFF;
	s21 =	simm.s32 $0x0;
	v5 =	vld [tilespmem:s22+$0x7FC0];
	(xrf0) =	vadd.scan.msk.s32 $0xffff, v8  }
0x130: {  	s28 =	simm.s32 $0xFFFFFB00;
	s25 =	simm.s32 $0xFFFFFF00;
	s23 =	simm.s32 $0x0;
	v6 =	vld [tilespmem:s22+$0xBFF0]  }
0x131: {  	s20 =	simm.s32 $0x1;
	v9 =	vadd.s32 v11, v9;
	v8 =	vld [tilespmem:s22+$0x7FF0];
	s22 =	simm.s32 $0x0;
	v10, _, _ =	vpop (xrf0);
	s0 =	spop (v2sf)  }
.LBB2_9:
0x132: {  	p0 =	seq.s32 s28, $0xFFFF0100;
	s0 =	sadd.s32 s22, s0;
	s29 =	smov.u32 s28  }
0x133: {  	v11 =	vadd.s32 v3, v4;
	v3 =	vld [tilespmem:s25+$0x7FE0];
	v12, _, _ =	vpop (xrf0);
	s28 =	sadd.s32 $0xFFFFFF00, s28;
	s30 =	smov.u32 s22;
	s31 =	smov.u32 s23  }
0x134: {  	s23 =	smov.u32 s20;
	v4 =	vld [tilespmem:s25+$0xBFE0];
	v5 =	vadd.s32 v5, v7;
	(xrf0) =	vadd.scan.msk.s32 $0xffff, v11;
	(v2sf) =	vpush v12, $0xF;
	s0 =	sadd.s32 s26, s0  }
0x135: {  	v11 =	vld [tilespmem:s25+$0xBFD0];
	(xrf0) =	vadd.scan.msk.s32 $0xffff, v5;
	(v2sf) =	vpush v10, $0xF;
	v10, _, _ =	vpop (xrf0);
	s0 =	sadd.s32 s24, s0;
	s22 =	spop (v2sf)  }
0x136: {  	v12 =	vld [tilespmem:s25+$0x7FD0];
	(xrf0) =	vadd.scan.msk.s32 $0xffff, v9;
	s22 =	sadd.s32 s22, s0  }
.Ltmp5:
0x137: {  	p1 =	slt.s32 s19, $0x0;
	v5 =	vld [tilespmem:s25+$0x7FC0];
	v6 =	vadd.s32 v8, v6;
	p2 =	sgt.s32 s22, $0x1FFFF;
	(pc) =	sbr.rel @!p0 .LBB2_9-.Ltmp5, $4  }
0x138: {  	v7 =	vld [tilespmem:s25+$0xBFC0];
	(xrf0) =	vadd.scan.msk.s32 $0xffff, v6;
	(v2sf) =	vpush v10, $0xF;
	s24 =	spop (v2sf);
	p1 =	por !p1, !p2  }
0x139: {  	p1 =	por !p1, !p1  }
0x13a: {  	s20 =	sadd.s32 $0x1, s20;
	v6 =	vld [tilespmem:s25+$0xBFF0];
	v13, _, _ =	vpop (xrf0);
	s26 =	spop (v2sf);
	s19 =	smov.u32 @p1 s31  }
0x13b: {  	s21 =	smov.u32 @p1 s30;
	v9 =	vadd.s32 v12, v11;
	v8 =	vld [tilespmem:s25+$0x7FF0];
	s25 =	sshra.s32 s29, $0x2;
	v10, _, _ =	vpop (xrf0);
	(v2sf) =	vpush v13, $0xF;
	s0 =	spop (v2sf)  }
0x13c: {  	v11 =	vld [tilespmem:s25+$0x7FE0]  }
0x13d: {  	v12 =	vld [tilespmem:s25+$0xBFE0]  }
0x13e: {  	v13 =	vld [tilespmem:s25+$0xBFD0]  }
0x13f: {  	v14 =	vld [tilespmem:s25+$0x7FC0]  }
0x140: {  	v3 =	vadd.s32 v3, v4;
	v4 =	vld [tilespmem:s25+$0xBFC0]  }
0x141: {  	(xrf0) =	vadd.scan.msk.s32 $0xffff, v3;
	v3 =	vld [tilespmem:s25+$0x7FD0]  }
0x142: {  	v5 =	vadd.s32 v5, v7  }
0x143: {  	(xrf0) =	vadd.scan.msk.s32 $0xffff, v5  }
0x144: {  	(xrf0) =	vadd.scan.msk.s32 $0xffff, v9;
	v5 =	vadd.s32 v8, v6;
	v7 =	vadd.s32 v11, v12  }
0x145: {  	v6, _, _ =	vpop (xrf0);
	(xrf0) =	vadd.scan.msk.s32 $0xffff, v5;
	v5 =	vld [tilespmem:s25+$0xBFF0];
	v4 =	vadd.s32 v14, v4  }
0x146: {  	(v2sf) =	vpush v6, $0xF;
	v6 =	vld [tilespmem:s25+$0x7FF0];
	(xrf0) =	vadd.scan.msk.s32 $0xffff, v7;
	v3 =	vadd.s32 v3, v13  }
0x147: {  	v7, _, _ =	vpop (xrf0);
	(xrf0) =	vadd.scan.msk.s32 $0xffff, v4  }
0x148: {  	(v2sf) =	vpush v10, $0xF;
	v4, _, _ =	vpop (xrf0);
	(xrf0) =	vadd.scan.msk.s32 $0xffff, v3  }
0x149: {  	(v2sf) =	vpush v7, $0xF;
	v3, _, _ =	vpop (xrf0)  }
0x14a: {  	(v2sf) =	vpush v4, $0xF;
	v7, _, _ =	vpop (xrf0)  }
0x14b: {  	v5 =	vadd.s32 v6, v5;
	(v2sf) =	vpush v7, $0xF;
	v4, _, _ =	vpop (xrf0)  }
0x14c: {  	(xrf0) =	vadd.scan.msk.s32 $0xffff, v5;
	(v2sf) =	vpush v3, $0xF;
	v3, _, _ =	vpop (xrf0)  }
0x14d: {  	(v2sf) =	vpush v4, $0xF;
	v4, _, _ =	vpop (xrf0)  }
0x14e: {  	s0 =	sadd.s32 s22, s0;
	(v2sf) =	vpush v3, $0xF;
	v3, _, _ =	vpop (xrf0)  }
0x14f: {  	s31 =	spop (v2sf);
	s0 =	sadd.s32 s26, s0;
	(v2sf) =	vpush v3, $0xF  }
0x150: {  	s1 =	spop (v2sf);
	s0 =	sadd.s32 s24, s0;
	(v2sf) =	vpush v4, $0xF  }
0x151: {  	s0 =	sadd.s32 s31, s0;
	s28 =	spop (v2sf)  }
0x152: {  	p0 =	slt.s32 s19, $0x0;
	p1 =	sgt.s32 s0, $0x1FFFF;
	s30 =	spop (v2sf);
	v3, _, _ =	vpop (xrf0)  }
0x153: {  	p0 =	por !p0, !p1;
	s24 =	sadd.s32 s0, s30;
	(v2sf) =	vpush v3, $0xF  }
0x154: {  	s25 =	sadd.s32 $0x1, s20;
	s24 =	sadd.s32 s28, s24;
	s31 =	spop (v2sf)  }
0x155: {  	p0 =	por !p0, !p0;
	s24 =	sadd.s32 s1, s24;
	s29 =	spop (v2sf)  }
0x156: {  	s19 =	smov.u32 @p0 s23;
	s23 =	sadd.s32 s31, s24;
	s28 =	spop (v2sf)  }
0x157: {  	p4 =	slt.s32 s19, $0x0;
	p2 =	sgt.s32 s23, $0x1FFFF;
	s1 =	spop (v2sf)  }
0x158: {  	p1 =	por !p4, !p2;
	s26 =	sadd.s32 s23, s1;
	s30 =	spop (v2sf)  }
0x159: {  	p1 =	por !p1, !p1;
	s26 =	sadd.s32 s28, s26;
	s28 =	spop (v2sf)  }
0x15a: {  	s19 =	smov.u32 @p1 s20;
	s31 =	sadd.s32 s29, s26;
	s1 =	spop (v2sf)  }
0x15b: {  	p5 =	slt.s32 s19, $0x0;
	s20 =	sadd.s32 s30, s31;
	s30 =	spop (v2sf)  }
0x15c: {  	p3 =	sgt.s32 s20, $0x1FFFF;
	s24 =	sadd.s32 s20, s30;
	s31 =	spop (v2sf)  }
0x15d: {  	p2 =	por !p5, !p3;
	s24 =	sadd.s32 s1, s24;
	s1 =	spop (v2sf)  }
0x15e: {  	p2 =	por !p2, !p2;
	s24 =	sadd.s32 s28, s24;
	s28 =	spop (v2sf)  }
0x15f: {  	s19 =	smov.u32 @p2 s25;
	s24 =	sadd.s32 s31, s24;
	s30 =	spop (v2sf)  }
0x160: {  	p6 =	slt.s32 s19, $0x0;
	p4 =	sgt.s32 s24, $0x1FFFF;
	s29 =	sadd.s32 s24, s30  }
0x161: {  	s25 =	sadd.s32 $0x1, s25;
	s28 =	sadd.s32 s28, s29;
	p3 =	por !p6, !p4  }
0x162: {  	p3 =	por !p3, !p3;
	s26 =	sadd.s32 s1, s28;
	s28 =	spop (v2sf)  }
0x163: {  	s21 =	smov.u32 @p0 s22;
	s19 =	smov.u32 @p3 s25;
	s31 =	sadd.s32 s28, s26  }
0x164: {  	s21 =	smov.u32 @p1 s0;
	p1 =	slt.s32 s19, $0x0;
	p4 =	sgt.s32 s31, $0x1FFFF  }
0x165: {  	p0 =	por !p1, !p4  }
0x166: {  	s0 =	sadd.s32 $0x1, s25;
	p0 =	por !p0, !p0  }
0x167: {  	s19 =	smov.u32 @p0 s0  }
0x168: {  	s0 =	sshll.u32 s19, $0x8  }
0x169: {  	s0 =	ssub.s32 $0x0, s0  }
0x16a: {  	s0 =	sshra.s32 s0, $0x2  }
0x16b: {  	s0 =	sadd.s32 $0x4000, s0  }
0x16c: {  	v3 =	vmov s0;
	_ =	sdelay $0x1  }
0x16d: {  	s21 =	smov.u32 @p2 s23  }
0x16e: {  	s21 =	smov.u32 @p3 s20  }
0x16f: {  	s21 =	smov.u32 @p0 s24;
	s24 =	simm.s32 $0x0  }
0x170: {  	v4 =	vld.idx.msk [tilespmem:v3+s24+$0x3FF0 ss:$0x1], $0xffff  }
0x171: {  	v5 =	vld.idx.msk [tilespmem:v3+s24+$0x7FF0 ss:$0x1], $0xffff;
	_ =	sdelay $0x4  }
0x172: {  	v4 =	vadd.s32 v4, v5  }
0x173: {  	v5 =	vperm.xlane v4, v1  }
0x174: {  	(xrf0) =	vadd.scan.msk.s32 $0xffff, v4  }
0x175: {  	(xrf0) =	vadd.scan.msk.s32 $0xffff, v5;
	_ =	sdelay $0x4  }
0x176: {  	v4, _, _ =	vpop (xrf0)  }
0x177: {  	v6, _, _ =	vpop (xrf0)  }
0x178: {  	v7 =	vadd.s32 s21, v6  }
0x179: {  	vm2 =	vgt.s32 v7, $0x1FFFF  }
0x17a: {  	v7 =	vsel vm2, $0x1, v2  }
0x17b: {  	(xrf0) =	vadd.scan.msk.s32 $0xffff, v7;
	_ =	sdelay $0x5  }
0x17c: {  	(v2sf) =	vpush v4, $0xF;
	v4, _, _ =	vpop (xrf0)  }
0x17d: {  	(v2sf) =	vpush v4, $0xF;
	_ =	sdelay $0x7  }
0x17e: {  	s25 =	simm.s32 $0xFFFFFFF0  }
0x17f: {  	v7 =	vld.idx.msk [tilespmem:v3+s25+$0x7FF0 ss:$0x1], $0xffff  }
0x180: {  	v4 =	vld.idx.msk [tilespmem:v3+s25+$0x3FF0 ss:$0x1], $0xffff;
	_ =	sdelay $0x3  }
0x181: {  	s26 =	spop (v2sf)  }
0x182: {  	v7 =	vadd.s32 v4, v7;
	s29 =	spop (v2sf)  }
0x183: {  	(xrf0) =	vadd.scan.msk.s32 $0xffff, v7;
	s30 =	ssub.s32 $0x10, s29  }
0x184: {  	v63 =	vmov s30  }
0x185: {  	vm2 =	veq.s32 v63, v0  }
0x186: {  	v4 =	vperm.xlane v7, v1;
	v5 =	vnsel vm2, $0x0, v5;
	_ =	sdelay $0x1  }
0x187: {  	(xrf0) =	vadd.scan.msk.s32 $0xffff, v4  }
0x188: {  	(xrf0) =	vadd.scan.msk.s32 $0xffff, v5;
	v5, _, _ =	vpop (xrf0)  }
0x189: {  	(v2sf) =	vpush v5, $0xF;
	_ =	sdelay $0x6  }
0x18a: {  	v6 =	vnsel vm2, $0x0, v6;
	v5, _, _ =	vpop (xrf0)  }
0x18b: {  	s22 =	sadd.s32 s21, s26;
	(xrf0) =	vadd.scan.msk.s32 $0xffff, v6;
	v7, _, _ =	vpop (xrf0)  }
0x18c: {  	(v2sf) =	vpush v7, $0xF;
	v7 =	vadd.s32 s22, v5  }
0x18d: {  	vm2 =	vgt.s32 v7, $0x1FFFF  }
0x18e: {  	v6 =	vsel vm2, $0x1, v2;
	_ =	sdelay $0x2  }
0x18f: {  	(xrf0) =	vadd.scan.msk.s32 $0xffff, v6;
	v6, _, _ =	vpop (xrf0)  }
0x190: {  	s31 =	spop (v2sf);
	(v2sf) =	vpush v6, $0xF;
	_ =	sdelay $0x8  }
0x191: {  	v6, _, _ =	vpop (xrf0)  }
0x192: {  	p5 =	por $0x1, $0x1;
	(v2sf) =	vpush v6, $0xF  }
0x193: {  	s20 =	simm.s32 $0x0;
	s28 =	simm.s32 $0xFFFFFF80;
	s19 =	sshll.u32 s19, $0x6  }
0x194: {  	s1 =	ssub.s32 $0x3FEF, s19;
	s19 =	simm.s32 $0xFFFFFFFF;
	p6 =	sgt.s32 s29, $0x0  }
0x195: {  	s23 =	sadd.s32 $0xFFFFFFF0, s1;
	s26 =	sadd.s32 s1, s29;
	p0 =	por !p5, !p6  }
0x196: {  	p1 =	por !p0, !p0;
	s24 =	sadd.s32 s22, s31;
	s0 =	spop (v2sf)  }
.LBB2_11:
0x197: {  	s19 =	smov.u32 @p1 s26;
	s29 =	spop (v2sf)  }
0x198: {  	s30 =	smov.u32 s28;
	s25 =	sadd.s32 $0xFFFFFFC0, s28;
	s26 =	smov.u32 s23  }
0x199: {  	p0 =	sne.s32 s28, $0xFFFFFF40;
	s28 =	sadd.s32 s21, s29;
	s21 =	smov.u32 s22  }
0x19a: {  	s29 =	sshra.s32 s30, $0x2;
	s22 =	smov.u32 s24;
	s0 =	ssub.s32 s28, s0  }
0x19b: {  	v6 =	vld.idx.msk [tilespmem:v3+s29+$0x3FF0 ss:$0x1], $0xffff;
	s20 =	smov.u32 @p1 s0  }
0x19c: {  	v7 =	vld.idx.msk [tilespmem:v3+s29+$0x7FF0 ss:$0x1], $0xffff;
	_ =	sdelay $0x4  }
0x19d: {  	s0 =	spop (v2sf)  }
0x19e: {  	p1 =	slt.s32 s19, $0x0;
	v6 =	vadd.s32 v6, v7;
	s28 =	ssub.s32 $0x10, s0;
	p2 =	sgt.s32 s0, $0x0  }
0x19f: {  	v7 =	vperm.xlane v6, v1;
	(xrf0) =	vadd.scan.msk.s32 $0xffff, v6;
	v6 =	vmov s28;
	p1 =	por !p1, !p2  }
0x1a0: {  	vm2 =	veq.s32 v6, v0  }
0x1a1: {  	(xrf0) =	vadd.scan.msk.s32 $0xffff, v7;
	v5 =	vnsel vm2, $0x0, v5;
	v6 =	vnsel vm2, $0x0, v4;
	v4 =	vmov v7  }
0x1a2: {  	(xrf0) =	vadd.scan.msk.s32 $0xffff, v6  }
0x1a3: {  	(xrf0) =	vadd.scan.msk.s32 $0xffff, v5;
	_ =	sdelay $0x1  }
0x1a4: {  	v5, _, _ =	vpop (xrf0)  }
0x1a5: {  	(v2sf) =	vpush v5, $0xF  }
0x1a6: {  	v5, _, _ =	vpop (xrf0)  }
0x1a7: {  	v6, _, _ =	vpop (xrf0)  }
0x1a8: {  	v7 =	vadd.s32 s24, v5;
	v8, _, _ =	vpop (xrf0);
	(v2sf) =	vpush v6, $0xF  }
0x1a9: {  	vm2 =	vgt.s32 v7, $0x1FFFF;
	(v2sf) =	vpush v8, $0xF  }
0x1aa: {  	v6 =	vsel vm2, $0x1, v2  }
0x1ab: {  	(xrf0) =	vadd.scan.msk.s32 $0xffff, v6;
	_ =	sdelay $0x5  }
0x1ac: {  	v6, _, _ =	vpop (xrf0)  }
0x1ad: {  	(v2sf) =	vpush v6, $0xF  }
.Ltmp6:
0x1ae: {  	(pc) =	sbr.rel @p0 .LBB2_11-.Ltmp6, $4  }
0x1af: {  	s28 =	spop (v2sf)  }
0x1b0: {  	s24 =	sadd.s32 s24, s28  }
0x1b1: {  	s23 =	sadd.s32 $0xFFFFFFF0, s23;
	s26 =	sadd.s32 s26, s0  }
0x1b2: {  	p1 =	por !p1, !p1;
	s28 =	smov.u32 s25;
	s0 =	spop (v2sf)  }
0x1b3: {  	_ =	sdelay $0x7  }
0x1b4: {  	s24 =	spop (v2sf)  }
0x1b5: {  	s25 =	spop (v2sf)  }
0x1b6: {  	s28 =	ssub.s32 $0x10, s25  }
0x1b7: {  	v3 =	vmov s28  }
0x1b8: {  	vm2 =	veq.s32 v3, v0  }
0x1b9: {  	v3 =	vnsel vm2, $0x0, v4  }
0x1ba: {  	v4 =	vnsel vm2, $0x0, v5;
	(xrf0) =	vadd.scan.msk.s32 $0xffff, v3  }
0x1bb: {  	(xrf0) =	vadd.scan.msk.s32 $0xffff, v4;
	_ =	sdelay $0x4  }
0x1bc: {  	v3, _, _ =	vpop (xrf0)  }
0x1bd: {  	v4, _, _ =	vpop (xrf0);
	(v2sf) =	vpush v3, $0xF  }
0x1be: {  	(v2sf) =	vpush v4, $0xF;
	_ =	sdelay $0x8  }
0x1bf: {  	s21 =	sadd.s32 s21, s24  }
0x1c0: {  	s0 =	ssub.s32 s21, s0;
	s21 =	simm.s32 $0x0  }
0x1c1: {  	[tilespmem:s21], [sflag:$0x1] =	stream.linear.gather [hbm4b:s5+s21], $0x2000, $0x38;
	[tilespmem:$0x1C100] =	vst v63  }
0x1c2: {  	s19 =	smov.u32 @p1 s26  }
0x1c3: {  	[tilespmem:s14], [sflag:$0x2] =	stream.linear.gather [hbm4b:s6+s21], $0x2000, $0x38;
	[tilespmem:$0x1C100] =	vst v63  }
0x1c4: {  	p0 =	slt.s32 s19, $0x0;
	p2 =	sgt.s32 s25, $0x0;
	s30 =	spop (v2sf)  }
0x1c5: {  	p0 =	por !p0, !p2;
	s31 =	spop (v2sf)  }
0x1c6: {  	s23 =	sadd.s32 s23, s25;
	p0 =	por !p0, !p0;
	s22 =	sadd.s32 s22, s31  }
0x1c7: {  	s20 =	smov.u32 @p1 s0;
	s19 =	smov.u32 @p0 s23;
	s0 =	ssub.s32 s22, s30  }
0x1c8: {  	v3 =	vmov s19;
	s22 =	simm.s32 $0x0;
	s20 =	smov.u32 @p0 s0  }
.LBB2_13:
0x1c9: {  	_ =	swait.ge [sflag:s15], $0x2000;
	s0 =	simm.s32 $0x0  }
0x1ca: {  	s23 =	sand.u32 $0xC00, s21;
	s24 =	simm.s32 $0x0;
	s0 =	sand.u32 $0x1000, s0  }
0x1cb: {  	[sflag:s15] =	ssyncset.done $0x0;
	s24 =	sand.u32 $0x380, s24;
	s0 =	sor.u32 s23, s0  }
0x1cc: {  	[sflag:s15] =	ssyncadd.s32 $0xFFFFE000;
	s0 =	sor.u32 s24, s0  }
0x1cd: {  	v4 =	vld [tilespmem:s0+$0x30]  }
0x1ce: {  	v6 =	vld [tilespmem:s0+$0x20]  }
0x1cf: {  	v5 =	vld [tilespmem:s0+$0x70]  }
0x1d0: {  	v7 =	vld [tilespmem:s0+$0x0];
	_ =	sdelay $0x1  }
0x1d1: {  	v8 =	vshrl.u32 v4, $0x10  }
0x1d2: {  	v9 =	vld [tilespmem:s0+$0x40];
	v4 =	vand.u32 $0xFFFF, v4;
	vm2 =	veq.s32 v8, v3;
	v8 =	vand.u32 $0xFFFF, v6  }
0x1d3: {  	v10 =	vld [tilespmem:s0+$0x10];
	v11 =	vnsel vm2, $0x10000, v4;
	v4 =	vshrl.u32 v5, $0x10;
	v5 =	vand.u32 $0xFFFF, v5  }
0x1d4: {  	v12 =	vld [tilespmem:s0+$0x50];
	(xrf1) =	vunique.msk.u32 $0xffff, v11;
	vm2 =	veq.s32 v4, v3;
	v4 =	vshrl.u32 v6, $0x10;
	v6 =	vshrl.u32 v7, $0x10  }
0x1d5: {  	v28 =	vnsel vm2, $0x10000, v5;
	vm2 =	veq.s32 v6, v3;
	v6 =	vld [tilespmem:s0+$0x60]  }
0x1d6: {  	v5 =	vand.u32 $0xFFFF, v7  }
0x1d7: {  	s26 =	simm.s32 $0x80;
	s28 =	simm.s32 $0x400;
	vm3 =	veq.s32 v4, v3;
	v7 =	vshrl.u32 v9, $0x10;
	v9 =	vand.u32 $0xFFFF, v9  }
0x1d8: {  	s29 =	simm.s32 $0x20;
	s23 =	sand.u32 $0xC00, s28;
	s0 =	sand.u32 $0x1000, s26;
	(xrf1) =	vunique.msk.u32 $0xffff, v28;
	v4 =	vnsel vm2, $0x10000, v5;
	v5 =	vnsel vm3, $0x10000, v8;
	vm2 =	veq.s32 v7, v3  }
0x1d9: {  	s24 =	sand.u32 $0x380, s29;
	s0 =	sor.u32 s23, s0;
	v7 =	vshrl.u32 v12, $0x10;
	v8 =	vshrl.u32 v10, $0x10;
	v10 =	vand.u32 $0xFFFF, v10;
	(xrf1) =	vunique.msk.u32 $0xffff, v4  }
0x1da: {  	v30 =	vnsel vm2, $0x10000, v9;
	s0 =	sor.u32 s24, s0;
	vm2 =	veq.s32 v8, v3;
	(xrf1) =	vunique.msk.u32 $0xffff, v5;
	v13 =	vshrl.u32 v6, $0x10  }
0x1db: {  	v9 =	vld [tilespmem:s0+$0x70];
	(xrf1) =	vunique.msk.u32 $0xffff, v30;
	v8 =	vand.u32 $0xFFFF, v6;
	v6 =	vnsel vm2, $0x10000, v10;
	vm3 =	veq.s32 v13, v3  }
0x1dc: {  	v10 =	vld [tilespmem:s0+$0x30];
	vm2 =	veq.s32 v7, v3;
	v7 =	vand.u32 $0xFFFF, v12;
	(xrf1) =	vunique.msk.u32 $0xffff, v6;
	v8 =	vnsel vm3, $0x10000, v8  }
0x1dd: {  	v12 =	vld [tilespmem:s0+$0x20];
	v7 =	vnsel vm2, $0x10000, v7;
	(xrf1) =	vunique.msk.u32 $0xffff, v8  }
0x1de: {  	v13 =	vld [tilespmem:s0+$0x60];
	(xrf1) =	vunique.msk.u32 $0xffff, v7;
	_ =	sdelay $0x1  }
0x1df: {  	v14 =	vld [tilespmem:s0+$0x0]  }
0x1e0: {  	s30 =	simm.s32 $0x100;
	s23 =	simm.s32 $0x800;
	v19 =	vld [tilespmem:s0+$0x40];
	v15 =	vshrl.u32 v10, $0x10  }
0x1e1: {  	s26 =	simm.s32 $0x40;
	s24 =	sand.u32 $0x1000, s30;
	s25 =	sand.u32 $0xC00, s23;
	v10 =	vand.u32 $0xFFFF, v10;
	v23 =	vand.u32 $0xFFFF, v12;
	v12 =	vshrl.u32 v12, $0x10;
	_, v21, vm3 =	vpop (xrf1)  }
0x1e2: {  	s26 =	sand.u32 $0x380, s26;
	s24 =	sor.u32 s25, s24;
	v22 =	vld [tilespmem:s0+$0x10];
	v29 =	vshrl.u32 v13, $0x10;
	vm2 =	veq.s32 v15, v3;
	v15 =	vshrl.u32 v9, $0x10  }
0x1e3: {  	v26 =	vld [tilespmem:s0+$0x50];
	s31 =	sor.u32 s26, s24;
	v9 =	vand.u32 $0xFFFF, v9;
	v10 =	vnsel vm2, $0x10000, v10;
	vm2 =	veq.s32 v15, v3  }
0x1e4: {  	v16 =	vld [tilespmem:s31+$0x70];
	vm5 =	veq.s32 v12, v3;
	v15 =	vshrl.u32 v14, $0x10;
	v9 =	vnsel vm2, $0x10000, v9;
	(xrf1) =	vunique.msk.u32 $0xffff, v10  }
0x1e5: {  	v20 =	vld [tilespmem:s31+$0x0];
	v12 =	vand.u32 $0xFFFF, v19;
	v14 =	vand.u32 $0xFFFF, v14;
	vm7 =	veq.s32 v15, v3;
	_, v31, vm6 =	vpop (xrf1);
	(xrf1) =	vunique.msk.u32 $0xffff, v9  }
0x1e6: {  	v18 =	vld [tilespmem:s31+$0x20];
	v13 =	vand.u32 $0xFFFF, v13;
	v15 =	vnsel vm7, $0x10000, v14;
	v14 =	vshrl.u32 v19, $0x10;
	_, v17, vm2 =	vpop (xrf1)  }
0x1e7: {  	_, v24, vm4 =	vpop (xrf1);
	[tilespmem:v11+s13+$0x0] =	vst.idx.add.s32.msk vm3, v21;
	v11 =	vshrl.u32 v22, $0x10;
	v21 =	vnsel vm5, $0x10000, v23;
	vm3 =	veq.s32 v14, v3  }
0x1e8: {  	v25 =	vld [tilespmem:s31+$0x60];
	(xrf1) =	vunique.msk.u32 $0xffff, v15;
	_, v32, vm7 =	vpop (xrf1);
	vm5 =	veq.s32 v11, v3;
	v11 =	vnsel vm3, $0x10000, v12;
	vm3 =	veq.s32 v29, v3  }
0x1e9: {  	v27 =	vshrl.u32 v26, $0x10;
	v19 =	vld [tilespmem:s31+$0x10];
	v14 =	vand.u32 $0xFFFF, v22;
	(xrf1) =	vunique.msk.u32 $0xffff, v21;
	v13 =	vnsel vm3, $0x10000, v13;
	_, v22, vm3 =	vpop (xrf1)  }
0x1ea: {  	vm8 =	veq.s32 v27, v3;
	v27 =	vand.u32 $0xFFFF, v26;
	v12 =	vnsel vm5, $0x10000, v14;
	(xrf1) =	vunique.msk.u32 $0xffff, v11;
	v14 =	vld [tilespmem:s31+$0x50];
	_, v26, vm5 =	vpop (xrf1)  }
0x1eb: {  	[tilespmem:v28+s13+$0x0] =	vst.idx.add.s32.msk vm6, v31;
	(xrf1) =	vunique.msk.u32 $0xffff, v12;
	_, v28, vm6 =	vpop (xrf1)  }
0x1ec: {  	v27 =	vnsel vm8, $0x10000, v27;
	v29 =	vld [tilespmem:s31+$0x30];
	(xrf1) =	vunique.msk.u32 $0xffff, v13  }
0x1ed: {  	v23 =	vld [tilespmem:s31+$0x40];
	(xrf1) =	vunique.msk.u32 $0xffff, v27  }
0x1ee: {  	s24 =	simm.s32 $0x10;
	[tilespmem:v30+s13+$0x0] =	vst.idx.add.s32.msk vm7, v32  }
.LBB2_14:
0x1ef: {  	s24 =	sadd.s32 $0x8, s24;
	[tilespmem:v5+s13+$0x0] =	vst.idx.add.s32.msk vm4, v24;
	v5 =	vmov v21  }
0x1f0: {  	v21 =	vshrl.u32 v25, $0x10;
	v31 =	vand.u32 $0xFFFF, v25;
	s23 =	sadd.s32 $0x400, s23;
	s0 =	sshll.u32 s24, $0x4;
	p0 =	slt.u32 s24, $0x1F8;
	v30 =	vshrl.u32 v14, $0x10;
	[tilespmem:v4+s13+$0x0] =	vst.idx.add.s32.msk vm2, v17;
	v4 =	vmovc v15  }
0x1f1: {  	s25 =	sand.u32 $0xC00, s23;
	s26 =	sshll.u32 s24, $0x2;
	vm8 =	veq.s32 v21, v3;
	s0 =	sand.u32 $0x1000, s0;
	v15 =	vshrl.u32 v29, $0x10;
	v17 =	vand.u32 $0xFFFF, v29;
	[tilespmem:v7+s13+$0x0] =	vst.idx.add.s32.msk vm6, v28;
	v7 =	vmovc v27  }
0x1f2: {  	v21 =	vand.u32 $0xFFFF, v16;
	s26 =	sand.u32 $0x380, s26;
	s0 =	sor.u32 s25, s0;
	vm2 =	veq.s32 v15, v3;
	v15 =	vshrl.u32 v16, $0x10;
	_, v27, vm6 =	vpop (xrf1);
	[tilespmem:v8+s13+$0x0] =	vst.idx.add.s32.msk vm5, v26  }
0x1f3: {  	v24 =	vand.u32 $0xFFFF, v18;
	s0 =	sor.u32 s26, s0;
	v28 =	vnsel vm2, $0x10000, v17;
	vm2 =	veq.s32 v15, v3;
	_, v32, vm7 =	vpop (xrf1);
	[tilespmem:v6+s13+$0x0] =	vst.idx.add.s32.msk vm3, v22  }
0x1f4: {  	v22 =	vand.u32 $0xFFFF, v19;
	v15 =	vshrl.u32 v18, $0x10;
	v6 =	vmovc v12;
	v16 =	vld [tilespmem:s0+$0x70];
	v33 =	vnsel vm2, $0x10000, v21;
	(xrf1) =	vunique.msk.u32 $0xffff, v28  }
0x1f5: {  	v26 =	vand.u32 $0xFFFF, v23;
	v8 =	vmovc v13;
	v12 =	vshrl.u32 v20, $0x10;
	vm3 =	veq.s32 v15, v3;
	v29 =	vld [tilespmem:s0+$0x0];
	(xrf1) =	vunique.msk.u32 $0xffff, v33  }
0x1f6: {  	v13 =	vshrl.u32 v19, $0x10;
	vm4 =	veq.s32 v12, v3;
	v12 =	vand.u32 $0xFFFF, v20;
	v18 =	vld [tilespmem:s0+$0x20];
	_, v17, vm2 =	vpop (xrf1)  }
0x1f7: {  	v15 =	vnsel vm4, $0x10000, v12;
	v21 =	vnsel vm3, $0x10000, v24;
	v12 =	vshrl.u32 v23, $0x10;
	v25 =	vld [tilespmem:s0+$0x60];
	_, v24, vm4 =	vpop (xrf1)  }
0x1f8: {  	vm3 =	veq.s32 v13, v3;
	vm5 =	veq.s32 v12, v3;
	(xrf1) =	vunique.msk.u32 $0xffff, v15;
	[tilespmem:v10+s13+$0x0] =	vst.idx.add.s32.msk vm6, v27;
	_, v34, vm9 =	vpop (xrf1)  }
0x1f9: {  	v13 =	vnsel vm8, $0x10000, v31;
	v12 =	vnsel vm3, $0x10000, v22;
	v35 =	vnsel vm5, $0x10000, v26;
	v19 =	vld [tilespmem:s0+$0x10];
	(xrf1) =	vunique.msk.u32 $0xffff, v21;
	_, v22, vm3 =	vpop (xrf1)  }
.Ltmp7:
0x1fa: {  	vm8 =	veq.s32 v30, v3;
	v10 =	vmov v28;
	v23 =	vld [tilespmem:s0+$0x40];
	(xrf1) =	vunique.msk.u32 $0xffff, v35;
	_, v26, vm5 =	vpop (xrf1);
	v20 =	vmov v29;
	(pc) =	sbr.rel @p0 .LBB2_14-.Ltmp7, $4  }
0x1fb: {  	v27 =	vand.u32 $0xFFFF, v14;
	v14 =	vld [tilespmem:s0+$0x50];
	(xrf1) =	vunique.msk.u32 $0xffff, v12;
	_, v28, vm6 =	vpop (xrf1)  }
0x1fc: {  	v27 =	vnsel vm8, $0x10000, v27;
	v29 =	vld [tilespmem:s0+$0x30];
	(xrf1) =	vunique.msk.u32 $0xffff, v13  }
0x1fd: {  	(xrf1) =	vunique.msk.u32 $0xffff, v27;
	[tilespmem:v9+s13+$0x0] =	vst.idx.add.s32.msk vm7, v32;
	v9 =	vmov v33  }
0x1fe: {  	[tilespmem:v11+s13+$0x0] =	vst.idx.add.s32.msk vm9, v34;
	v11 =	vmov v35  }
0x1ff: {  	v31 =	vshrl.u32 v25, $0x10  }
0x200: {  	v60 =	vshrl.u32 v16, $0x10;
	v16 =	vand.u32 $0xFFFF, v16;
	v33 =	vand.u32 $0xFFFF, v18  }
0x201: {  	v18 =	vshrl.u32 v18, $0x10;
	v61 =	vshrl.u32 v20, $0x10;
	v32 =	vshrl.u32 v29, $0x10  }
0x202: {  	v62 =	vshrl.u32 v19, $0x10;
	v29 =	vand.u32 $0xFFFF, v29;
	vm7 =	veq.s32 v32, v3  }
0x203: {  	vm8 =	veq.s32 v61, v3;
	v29 =	vnsel vm7, $0x10000, v29;
	vm7 =	veq.s32 v60, v3  }
0x204: {  	v16 =	vnsel vm7, $0x10000, v16;
	(xrf1) =	vunique.msk.u32 $0xffff, v29;
	vm7 =	veq.s32 v18, v3;
	v18 =	vand.u32 $0xFFFF, v20  }
0x205: {  	v20 =	vand.u32 $0xFFFF, v23;
	v23 =	vshrl.u32 v23, $0x10;
	(xrf1) =	vunique.msk.u32 $0xffff, v16;
	v18 =	vnsel vm8, $0x10000, v18  }
0x206: {  	v19 =	vand.u32 $0xFFFF, v19;
	v33 =	vnsel vm7, $0x10000, v33;
	vm7 =	veq.s32 v23, v3;
	(xrf1) =	vunique.msk.u32 $0xffff, v18  }
0x207: {  	v30 =	vshrl.u32 v14, $0x10;
	vm8 =	veq.s32 v62, v3;
	v20 =	vnsel vm7, $0x10000, v20;
	(xrf1) =	vunique.msk.u32 $0xffff, v33  }
0x208: {  	v23 =	vand.u32 $0xFFFF, v25;
	vm7 =	veq.s32 v31, v3;
	v19 =	vnsel vm8, $0x10000, v19;
	(xrf1) =	vunique.msk.u32 $0xffff, v20  }
0x209: {  	v14 =	vand.u32 $0xFFFF, v14;
	v23 =	vnsel vm7, $0x10000, v23;
	vm7 =	veq.s32 v30, v3;
	(xrf1) =	vunique.msk.u32 $0xffff, v19  }
0x20a: {  	_, v25, vm8 =	vpop (xrf1);
	v14 =	vnsel vm7, $0x10000, v14;
	(xrf1) =	vunique.msk.u32 $0xffff, v23  }
0x20b: {  	[tilespmem:v5+s13+$0x0] =	vst.idx.add.s32.msk vm4, v24;
	_, v30, vm7 =	vpop (xrf1);
	(xrf1) =	vunique.msk.u32 $0xffff, v14  }
0x20c: {  	[tilespmem:v4+s13+$0x0] =	vst.idx.add.s32.msk vm2, v17;
	_, v31, vm9 =	vpop (xrf1)  }
0x20d: {  	[tilespmem:v7+s13+$0x0] =	vst.idx.add.s32.msk vm6, v28;
	_, v5, vm4 =	vpop (xrf1)  }
0x20e: {  	[tilespmem:v8+s13+$0x0] =	vst.idx.add.s32.msk vm5, v26;
	_, v4, vm2 =	vpop (xrf1)  }
0x20f: {  	[tilespmem:v6+s13+$0x0] =	vst.idx.add.s32.msk vm3, v22;
	_, v7, vm6 =	vpop (xrf1)  }
0x210: {  	[tilespmem:v10+s13+$0x0] =	vst.idx.add.s32.msk vm8, v25;
	_, v8, vm5 =	vpop (xrf1)  }
0x211: {  	_, v6, vm3 =	vpop (xrf1);
	[tilespmem:v9+s13+$0x0] =	vst.idx.add.s32.msk vm7, v30  }
0x212: {  	[tilespmem:v15+s13+$0x0] =	vst.idx.add.s32.msk vm9, v31;
	_, v10, vm8 =	vpop (xrf1)  }
0x213: {  	[tilespmem:v21+s13+$0x0] =	vst.idx.add.s32.msk vm4, v5;
	_, v9, vm7 =	vpop (xrf1)  }
0x214: {  	[tilespmem:v11+s13+$0x0] =	vst.idx.add.s32.msk vm2, v4;
	_, v4, vm2 =	vpop (xrf1)  }
0x215: {  	[tilespmem:v12+s13+$0x0] =	vst.idx.add.s32.msk vm6, v7;
	_, v5, vm4 =	vpop (xrf1)  }
0x216: {  	[tilespmem:v13+s13+$0x0] =	vst.idx.add.s32.msk vm5, v8;
	_, v11, vm15 =	vpop (xrf1)  }
0x217: {  	[tilespmem:v27+s13+$0x0] =	vst.idx.add.s32.msk vm3, v6;
	_, v6, vm3 =	vpop (xrf1)  }
0x218: {  	_, v8, vm5 =	vpop (xrf1);
	[tilespmem:v29+s13+$0x0] =	vst.idx.add.s32.msk vm8, v10  }
0x219: {  	_, v7, vm6 =	vpop (xrf1);
	[tilespmem:v16+s13+$0x0] =	vst.idx.add.s32.msk vm7, v9  }
0x21a: {  	[tilespmem:v18+s13+$0x0] =	vst.idx.add.s32.msk vm2, v4  }
0x21b: {  	[tilespmem:v33+s13+$0x0] =	vst.idx.add.s32.msk vm4, v5  }
0x21c: {  	s23 =	sshll.u32 s22, $0xE;
	p0 =	seq.s32 s22, $0xF;
	[tilespmem:v20+s13+$0x0] =	vst.idx.add.s32.msk vm15, v11  }
0x21d: {  	s0 =	sadd.s32 @!p0 s23, s7;
	[tilespmem:v19+s13+$0x0] =	vst.idx.add.s32.msk vm3, v6  }
0x21e: {  	s0 =	sshrl.u32 @!p0 s0, $0x3;
	[tilespmem:v23+s13+$0x0] =	vst.idx.add.s32.msk vm5, v8  }
0x21f: {  	s25 =	simm.s32 $0x0;
	s24 =	simm.s32 @!p0 $0x0;
	s0 =	sadd.s32 @!p0 s2, s0;
	[tilespmem:v14+s13+$0x0] =	vst.idx.add.s32.msk vm6, v7  }
0x220: {  	[tilespmem:s24], [sflag:$0x1] =	stream.linear.gather @!p0 [hbm4b:s0+s24], $0x2000, $0x38;
	[tilespmem:$0x1C100] =	vst v63  }
0x221: {  	s1 =	simm.s32 $0x0;
	s24 =	sand.u32 $0x1000, s25  }
0x222: {  	s0 =	sand.u32 $0xC00, s1;
	s25 =	simm.s32 $0x0;
	_ =	swait.ge [sflag:s16], $0x2000  }
0x223: {  	s25 =	sand.u32 $0x380, s25;
	s0 =	sor.u32 s0, s24;
	[sflag:s16] =	ssyncset.done $0x0  }
0x224: {  	s0 =	sor.u32 s25, s0;
	[sflag:s16] =	ssyncadd.s32 $0xFFFFE000  }
0x225: {  	v4 =	vld [tilespmem:s0+$0x2030]  }
0x226: {  	v6 =	vld [tilespmem:s0+$0x2020]  }
0x227: {  	v5 =	vld [tilespmem:s0+$0x2070]  }
0x228: {  	v7 =	vld [tilespmem:s0+$0x2000];
	_ =	sdelay $0x1  }
0x229: {  	v8 =	vshrl.u32 v4, $0x10  }
0x22a: {  	v9 =	vld [tilespmem:s0+$0x2040];
	v4 =	vand.u32 $0xFFFF, v4;
	vm2 =	veq.s32 v8, v3;
	v8 =	vand.u32 $0xFFFF, v6  }
0x22b: {  	v10 =	vld [tilespmem:s0+$0x2010];
	v11 =	vnsel vm2, $0x10000, v4;
	v4 =	vshrl.u32 v5, $0x10;
	v5 =	vand.u32 $0xFFFF, v5  }
0x22c: {  	v12 =	vld [tilespmem:s0+$0x2050];
	(xrf1) =	vunique.msk.u32 $0xffff, v11;
	vm2 =	veq.s32 v4, v3;
	v4 =	vshrl.u32 v6, $0x10;
	v6 =	vshrl.u32 v7, $0x10  }
0x22d: {  	v28 =	vnsel vm2, $0x10000, v5;
	vm2 =	veq.s32 v6, v3;
	v6 =	vld [tilespmem:s0+$0x2060]  }
0x22e: {  	v5 =	vand.u32 $0xFFFF, v7  }
0x22f: {  	s26 =	simm.s32 $0x80;
	s28 =	simm.s32 $0x400;
	vm3 =	veq.s32 v4, v3;
	v7 =	vshrl.u32 v9, $0x10;
	v9 =	vand.u32 $0xFFFF, v9  }
0x230: {  	s29 =	simm.s32 $0x20;
	s24 =	sand.u32 $0xC00, s28;
	s0 =	sand.u32 $0x1000, s26;
	(xrf1) =	vunique.msk.u32 $0xffff, v28;
	v4 =	vnsel vm2, $0x10000, v5;
	v5 =	vnsel vm3, $0x10000, v8;
	vm2 =	veq.s32 v7, v3  }
0x231: {  	s25 =	sand.u32 $0x380, s29;
	s0 =	sor.u32 s24, s0;
	v7 =	vshrl.u32 v12, $0x10;
	v8 =	vshrl.u32 v10, $0x10;
	v10 =	vand.u32 $0xFFFF, v10;
	(xrf1) =	vunique.msk.u32 $0xffff, v4  }
0x232: {  	v30 =	vnsel vm2, $0x10000, v9;
	s0 =	sor.u32 s25, s0;
	vm2 =	veq.s32 v8, v3;
	(xrf1) =	vunique.msk.u32 $0xffff, v5;
	v13 =	vshrl.u32 v6, $0x10  }
0x233: {  	v9 =	vld [tilespmem:s0+$0x2070];
	(xrf1) =	vunique.msk.u32 $0xffff, v30;
	v8 =	vand.u32 $0xFFFF, v6;
	v6 =	vnsel vm2, $0x10000, v10;
	vm3 =	veq.s32 v13, v3  }
0x234: {  	v10 =	vld [tilespmem:s0+$0x2030];
	vm2 =	veq.s32 v7, v3;
	v7 =	vand.u32 $0xFFFF, v12;
	(xrf1) =	vunique.msk.u32 $0xffff, v6;
	v8 =	vnsel vm3, $0x10000, v8  }
0x235: {  	v12 =	vld [tilespmem:s0+$0x2020];
	v7 =	vnsel vm2, $0x10000, v7;
	(xrf1) =	vunique.msk.u32 $0xffff, v8  }
0x236: {  	v13 =	vld [tilespmem:s0+$0x2060];
	(xrf1) =	vunique.msk.u32 $0xffff, v7;
	_ =	sdelay $0x1  }
0x237: {  	v14 =	vld [tilespmem:s0+$0x2000]  }
0x238: {  	s30 =	simm.s32 $0x100;
	s24 =	simm.s32 $0x800;
	v19 =	vld [tilespmem:s0+$0x2040];
	v15 =	vshrl.u32 v10, $0x10  }
0x239: {  	s28 =	simm.s32 $0x40;
	s25 =	sand.u32 $0x1000, s30;
	s26 =	sand.u32 $0xC00, s24;
	v10 =	vand.u32 $0xFFFF, v10;
	v23 =	vand.u32 $0xFFFF, v12;
	v12 =	vshrl.u32 v12, $0x10;
	_, v21, vm3 =	vpop (xrf1)  }
0x23a: {  	s28 =	sand.u32 $0x380, s28;
	s25 =	sor.u32 s26, s25;
	v22 =	vld [tilespmem:s0+$0x2010];
	v29 =	vshrl.u32 v13, $0x10;
	vm2 =	veq.s32 v15, v3;
	v15 =	vshrl.u32 v9, $0x10  }
0x23b: {  	v26 =	vld [tilespmem:s0+$0x2050];
	s31 =	sor.u32 s28, s25;
	v9 =	vand.u32 $0xFFFF, v9;
	v10 =	vnsel vm2, $0x10000, v10;
	vm2 =	veq.s32 v15, v3  }
0x23c: {  	v16 =	vld [tilespmem:s31+$0x2070];
	vm5 =	veq.s32 v12, v3;
	v15 =	vshrl.u32 v14, $0x10;
	v9 =	vnsel vm2, $0x10000, v9;
	(xrf1) =	vunique.msk.u32 $0xffff, v10  }
0x23d: {  	v20 =	vld [tilespmem:s31+$0x2000];
	v12 =	vand.u32 $0xFFFF, v19;
	v14 =	vand.u32 $0xFFFF, v14;
	vm7 =	veq.s32 v15, v3;
	_, v31, vm6 =	vpop (xrf1);
	(xrf1) =	vunique.msk.u32 $0xffff, v9  }
0x23e: {  	v18 =	vld [tilespmem:s31+$0x2020];
	v13 =	vand.u32 $0xFFFF, v13;
	v15 =	vnsel vm7, $0x10000, v14;
	v14 =	vshrl.u32 v19, $0x10;
	_, v17, vm2 =	vpop (xrf1)  }
0x23f: {  	_, v24, vm4 =	vpop (xrf1);
	[tilespmem:v11+s13+$0x0] =	vst.idx.add.s32.msk vm3, v21;
	v11 =	vshrl.u32 v22, $0x10;
	v21 =	vnsel vm5, $0x10000, v23;
	vm3 =	veq.s32 v14, v3  }
0x240: {  	v25 =	vld [tilespmem:s31+$0x2060];
	(xrf1) =	vunique.msk.u32 $0xffff, v15;
	_, v63, vm7 =	vpop (xrf1);
	vm5 =	veq.s32 v11, v3;
	v11 =	vnsel vm3, $0x10000, v12;
	vm3 =	veq.s32 v29, v3  }
0x241: {  	v27 =	vshrl.u32 v26, $0x10;
	v19 =	vld [tilespmem:s31+$0x2010];
	v14 =	vand.u32 $0xFFFF, v22;
	(xrf1) =	vunique.msk.u32 $0xffff, v21;
	v13 =	vnsel vm3, $0x10000, v13;
	_, v22, vm3 =	vpop (xrf1)  }
0x242: {  	vm8 =	veq.s32 v27, v3;
	v27 =	vand.u32 $0xFFFF, v26;
	v12 =	vnsel vm5, $0x10000, v14;
	(xrf1) =	vunique.msk.u32 $0xffff, v11;
	v14 =	vld [tilespmem:s31+$0x2050];
	_, v26, vm5 =	vpop (xrf1)  }
0x243: {  	[tilespmem:v28+s13+$0x0] =	vst.idx.add.s32.msk vm6, v31;
	(xrf1) =	vunique.msk.u32 $0xffff, v12;
	_, v28, vm6 =	vpop (xrf1)  }
0x244: {  	v27 =	vnsel vm8, $0x10000, v27;
	v29 =	vld [tilespmem:s31+$0x2030];
	(xrf1) =	vunique.msk.u32 $0xffff, v13  }
0x245: {  	v23 =	vld [tilespmem:s31+$0x2040];
	(xrf1) =	vunique.msk.u32 $0xffff, v27  }
0x246: {  	s25 =	simm.s32 $0x10;
	[tilespmem:v30+s13+$0x0] =	vst.idx.add.s32.msk vm7, v63  }
.LBB2_16:
0x247: {  	s25 =	sadd.s32 $0x8, s25;
	[tilespmem:v5+s13+$0x0] =	vst.idx.add.s32.msk vm4, v24;
	v5 =	vmov v21  }
0x248: {  	v21 =	vshrl.u32 v25, $0x10;
	v31 =	vand.u32 $0xFFFF, v25;
	s24 =	sadd.s32 $0x400, s24;
	s0 =	sshll.u32 s25, $0x4;
	p1 =	slt.u32 s25, $0x1F8;
	v30 =	vshrl.u32 v14, $0x10;
	[tilespmem:v4+s13+$0x0] =	vst.idx.add.s32.msk vm2, v17;
	v4 =	vmovc v15  }
0x249: {  	s26 =	sand.u32 $0xC00, s24;
	s28 =	sshll.u32 s25, $0x2;
	vm8 =	veq.s32 v21, v3;
	s0 =	sand.u32 $0x1000, s0;
	v15 =	vshrl.u32 v29, $0x10;
	v17 =	vand.u32 $0xFFFF, v29;
	[tilespmem:v7+s13+$0x0] =	vst.idx.add.s32.msk vm6, v28;
	v7 =	vmovc v27  }
0x24a: {  	v21 =	vand.u32 $0xFFFF, v16;
	s28 =	sand.u32 $0x380, s28;
	s0 =	sor.u32 s26, s0;
	vm2 =	veq.s32 v15, v3;
	v15 =	vshrl.u32 v16, $0x10;
	_, v27, vm6 =	vpop (xrf1);
	[tilespmem:v8+s13+$0x0] =	vst.idx.add.s32.msk vm5, v26  }
0x24b: {  	v24 =	vand.u32 $0xFFFF, v18;
	s0 =	sor.u32 s28, s0;
	v28 =	vnsel vm2, $0x10000, v17;
	vm2 =	veq.s32 v15, v3;
	_, v32, vm7 =	vpop (xrf1);
	[tilespmem:v6+s13+$0x0] =	vst.idx.add.s32.msk vm3, v22  }
0x24c: {  	v22 =	vand.u32 $0xFFFF, v19;
	v15 =	vshrl.u32 v18, $0x10;
	v6 =	vmovc v12;
	v16 =	vld [tilespmem:s0+$0x2070];
	v33 =	vnsel vm2, $0x10000, v21;
	(xrf1) =	vunique.msk.u32 $0xffff, v28  }
0x24d: {  	v26 =	vand.u32 $0xFFFF, v23;
	v8 =	vmovc v13;
	v12 =	vshrl.u32 v20, $0x10;
	vm3 =	veq.s32 v15, v3;
	v29 =	vld [tilespmem:s0+$0x2000];
	(xrf1) =	vunique.msk.u32 $0xffff, v33  }
0x24e: {  	v13 =	vshrl.u32 v19, $0x10;
	vm4 =	veq.s32 v12, v3;
	v12 =	vand.u32 $0xFFFF, v20;
	v18 =	vld [tilespmem:s0+$0x2020];
	_, v17, vm2 =	vpop (xrf1)  }
0x24f: {  	v15 =	vnsel vm4, $0x10000, v12;
	v21 =	vnsel vm3, $0x10000, v24;
	v12 =	vshrl.u32 v23, $0x10;
	v25 =	vld [tilespmem:s0+$0x2060];
	_, v24, vm4 =	vpop (xrf1)  }
0x250: {  	vm3 =	veq.s32 v13, v3;
	vm5 =	veq.s32 v12, v3;
	(xrf1) =	vunique.msk.u32 $0xffff, v15;
	[tilespmem:v10+s13+$0x0] =	vst.idx.add.s32.msk vm6, v27;
	_, v34, vm9 =	vpop (xrf1)  }
0x251: {  	v13 =	vnsel vm8, $0x10000, v31;
	v12 =	vnsel vm3, $0x10000, v22;
	v35 =	vnsel vm5, $0x10000, v26;
	v19 =	vld [tilespmem:s0+$0x2010];
	(xrf1) =	vunique.msk.u32 $0xffff, v21;
	_, v22, vm3 =	vpop (xrf1)  }
.Ltmp8:
0x252: {  	vm8 =	veq.s32 v30, v3;
	v10 =	vmov v28;
	v23 =	vld [tilespmem:s0+$0x2040];
	(xrf1) =	vunique.msk.u32 $0xffff, v35;
	_, v26, vm5 =	vpop (xrf1);
	v20 =	vmov v29;
	(pc) =	sbr.rel @p1 .LBB2_16-.Ltmp8, $4  }
0x253: {  	v27 =	vand.u32 $0xFFFF, v14;
	v14 =	vld [tilespmem:s0+$0x2050];
	(xrf1) =	vunique.msk.u32 $0xffff, v12;
	_, v28, vm6 =	vpop (xrf1)  }
0x254: {  	v27 =	vnsel vm8, $0x10000, v27;
	v29 =	vld [tilespmem:s0+$0x2030];
	(xrf1) =	vunique.msk.u32 $0xffff, v13  }
0x255: {  	(xrf1) =	vunique.msk.u32 $0xffff, v27;
	[tilespmem:v9+s13+$0x0] =	vst.idx.add.s32.msk vm7, v32;
	v9 =	vmov v33  }
0x256: {  	[tilespmem:v11+s13+$0x0] =	vst.idx.add.s32.msk vm9, v34;
	v11 =	vmov v35  }
0x257: {  	v31 =	vshrl.u32 v25, $0x10  }
0x258: {  	v49 =	vshrl.u32 v16, $0x10;
	v50 =	vand.u32 $0xFFFF, v16;
	v51 =	vand.u32 $0xFFFF, v18  }
0x259: {  	v52 =	vshrl.u32 v18, $0x10;
	v53 =	vshrl.u32 v20, $0x10;
	v32 =	vshrl.u32 v29, $0x10  }
0x25a: {  	v54 =	vand.u32 $0xFFFF, v20;
	v48 =	vand.u32 $0xFFFF, v29;
	vm7 =	veq.s32 v32, v3  }
0x25b: {  	v55 =	vand.u32 $0xFFFF, v23;
	vm8 =	veq.s32 v49, v3;
	v29 =	vnsel vm7, $0x10000, v48  }
0x25c: {  	v56 =	vshrl.u32 v23, $0x10;
	vm12 =	veq.s32 v53, v3;
	v16 =	vnsel vm8, $0x10000, v50;
	(xrf1) =	vunique.msk.u32 $0xffff, v29  }
0x25d: {  	v57 =	vshrl.u32 v19, $0x10;
	vm15 =	veq.s32 v52, v3;
	v18 =	vnsel vm12, $0x10000, v54;
	(xrf1) =	vunique.msk.u32 $0xffff, v16  }
0x25e: {  	v58 =	vand.u32 $0xFFFF, v19;
	vm13 =	veq.s32 v56, v3;
	v32 =	vnsel vm15, $0x10000, v51;
	(xrf1) =	vunique.msk.u32 $0xffff, v18  }
0x25f: {  	v30 =	vshrl.u32 v14, $0x10;
	vm14 =	veq.s32 v57, v3;
	v20 =	vnsel vm13, $0x10000, v55;
	(xrf1) =	vunique.msk.u32 $0xffff, v32  }
0x260: {  	v59 =	vand.u32 $0xFFFF, v25;
	v19 =	vnsel vm14, $0x10000, v58;
	vm15 =	veq.s32 v31, v3;
	(xrf1) =	vunique.msk.u32 $0xffff, v20  }
0x261: {  	v60 =	vand.u32 $0xFFFF, v14;
	vm12 =	veq.s32 v30, v3;
	v23 =	vnsel vm15, $0x10000, v59;
	(xrf1) =	vunique.msk.u32 $0xffff, v19  }
0x262: {  	_, v61, vm13 =	vpop (xrf1);
	v14 =	vnsel vm12, $0x10000, v60;
	(xrf1) =	vunique.msk.u32 $0xffff, v23  }
0x263: {  	[tilespmem:v5+s13+$0x0] =	vst.idx.add.s32.msk vm4, v24;
	_, v30, vm14 =	vpop (xrf1);
	(xrf1) =	vunique.msk.u32 $0xffff, v14  }
0x264: {  	[tilespmem:v4+s13+$0x0] =	vst.idx.add.s32.msk vm2, v17;
	_, v62, vm9 =	vpop (xrf1)  }
0x265: {  	[tilespmem:v7+s13+$0x0] =	vst.idx.add.s32.msk vm6, v28;
	_, v5, vm4 =	vpop (xrf1)  }
0x266: {  	[tilespmem:v8+s13+$0x0] =	vst.idx.add.s32.msk vm5, v26;
	_, v4, vm2 =	vpop (xrf1)  }
0x267: {  	[tilespmem:v6+s13+$0x0] =	vst.idx.add.s32.msk vm3, v22;
	_, v7, vm6 =	vpop (xrf1)  }
0x268: {  	[tilespmem:v10+s13+$0x0] =	vst.idx.add.s32.msk vm13, v61;
	_, v8, vm5 =	vpop (xrf1)  }
0x269: {  	[tilespmem:v9+s13+$0x0] =	vst.idx.add.s32.msk vm14, v30;
	_, v6, vm3 =	vpop (xrf1)  }
0x26a: {  	[tilespmem:v15+s13+$0x0] =	vst.idx.add.s32.msk vm9, v62;
	_, v10, vm8 =	vpop (xrf1)  }
0x26b: {  	[tilespmem:v21+s13+$0x0] =	vst.idx.add.s32.msk vm4, v5;
	_, v9, vm7 =	vpop (xrf1)  }
0x26c: {  	[tilespmem:v11+s13+$0x0] =	vst.idx.add.s32.msk vm2, v4;
	_, v4, vm2 =	vpop (xrf1)  }
0x26d: {  	[tilespmem:v12+s13+$0x0] =	vst.idx.add.s32.msk vm6, v7;
	_, v5, vm4 =	vpop (xrf1)  }
0x26e: {  	[tilespmem:v13+s13+$0x0] =	vst.idx.add.s32.msk vm5, v8;
	_, v63, vm15 =	vpop (xrf1)  }
0x26f: {  	[tilespmem:v27+s13+$0x0] =	vst.idx.add.s32.msk vm3, v6;
	_, v6, vm3 =	vpop (xrf1)  }
0x270: {  	_, v8, vm5 =	vpop (xrf1);
	[tilespmem:v29+s13+$0x0] =	vst.idx.add.s32.msk vm8, v10  }
0x271: {  	_, v7, vm6 =	vpop (xrf1);
	[tilespmem:v16+s13+$0x0] =	vst.idx.add.s32.msk vm7, v9  }
0x272: {  	[tilespmem:v18+s13+$0x0] =	vst.idx.add.s32.msk vm2, v4  }
.Ltmp9:
0x273: {  	[tilespmem:v32+s13+$0x0] =	vst.idx.add.s32.msk vm4, v5;
	(pc) =	sbr.rel @p0 .LBB2_20-.Ltmp9, $4  }
0x274: {  	[tilespmem:v20+s13+$0x0] =	vst.idx.add.s32.msk vm15, v63  }
0x275: {  	[tilespmem:v19+s13+$0x0] =	vst.idx.add.s32.msk vm3, v6  }
0x276: {  	[tilespmem:v23+s13+$0x0] =	vst.idx.add.s32.msk vm5, v8  }
0x277: {  	[tilespmem:v14+s13+$0x0] =	vst.idx.add.s32.msk vm6, v7  }
.Ltmp10:
0x278: {  	(pc) =	sbr.rel .LBB2_13-.Ltmp10, $4  }
0x279: {  	s0 =	sadd.s32 s23, s8  }
0x27a: {  	s0 =	sshrl.u32 s0, $0x3  }
0x27b: {  	s22 =	sadd.s32 $0x1, s22;
	s0 =	sadd.s32 s2, s0  }
0x27c: {  	[tilespmem:s14], [sflag:$0x2] =	stream.linear.gather [hbm4b:s0+s4], $0x2000, $0x38;
	[tilespmem:$0x1C100] =	vst v63  }
.LBB2_20:
0x27d: {  	s0 =	simm.s32 $0x1BFC0  }
0x27e: {  	v3 =	vld [tilespmem:s0+$0x0]  }
0x27f: {  	v4 =	vld [tilespmem:s0+$0x10]  }
0x280: {  	v5 =	vld [tilespmem:s0+$0x20]  }
0x281: {  	v6 =	vld [tilespmem:s0+$0x30];
	_ =	sdelay $0x1  }
0x282: {  	(xrf0) =	vadd.scan.msk.s32 $0xffff, v3  }
0x283: {  	(xrf0) =	vadd.scan.msk.s32 $0xffff, v4  }
0x284: {  	(xrf0) =	vadd.scan.msk.s32 $0xffff, v5  }
0x285: {  	(xrf0) =	vadd.scan.msk.s32 $0xffff, v6;
	_ =	sdelay $0x2  }
0x286: {  	v3, _, _ =	vpop (xrf0)  }
0x287: {  	(v2sf) =	vpush v3, $0xF;
	v3, _, _ =	vpop (xrf0)  }
0x288: {  	(v2sf) =	vpush v3, $0xF;
	v3, _, _ =	vpop (xrf0)  }
0x289: {  	s26 =	simm.s32 $0x1BF80;
	(v2sf) =	vpush v3, $0xF;
	v3, _, _ =	vpop (xrf0)  }
0x28a: {  	(v2sf) =	vpush v3, $0xF;
	v3 =	vld [tilespmem:s26+$0x0]  }
0x28b: {  	v4 =	vld [tilespmem:s26+$0x10]  }
0x28c: {  	v5 =	vld [tilespmem:s26+$0x20]  }
0x28d: {  	v6 =	vld [tilespmem:s26+$0x30]  }
0x28e: {  	s1 =	simm.s32 $0x1BF40  }
0x28f: {  	v7 =	vld [tilespmem:s1+$0x0];
	(xrf0) =	vadd.scan.msk.s32 $0xffff, v3  }
0x290: {  	v3 =	vld [tilespmem:s1+$0x10];
	(xrf0) =	vadd.scan.msk.s32 $0xffff, v4  }
0x291: {  	v4 =	vld [tilespmem:s1+$0x20];
	(xrf0) =	vadd.scan.msk.s32 $0xffff, v5  }
0x292: {  	(xrf0) =	vadd.scan.msk.s32 $0xffff, v6;
	_ =	sdelay $0x1  }
0x293: {  	(xrf0) =	vadd.scan.msk.s32 $0xffff, v7  }
0x294: {  	v5 =	vld [tilespmem:s1+$0x30];
	(xrf0) =	vadd.scan.msk.s32 $0xffff, v3;
	v3, _, _ =	vpop (xrf0)  }
0x295: {  	(xrf0) =	vadd.scan.msk.s32 $0xffff, v4;
	s24 =	spop (v2sf);
	(v2sf) =	vpush v3, $0xF;
	v3, _, _ =	vpop (xrf0)  }
0x296: {  	s0 =	sadd.s32 $0x0, s24;
	s24 =	spop (v2sf);
	v4, _, _ =	vpop (xrf0);
	(v2sf) =	vpush v3, $0xF  }
0x297: {  	s25 =	spop (v2sf);
	v3, _, _ =	vpop (xrf0);
	(v2sf) =	vpush v4, $0xF  }
0x298: {  	s26 =	spop (v2sf);
	(v2sf) =	vpush v3, $0xF  }
0x299: {  	(xrf0) =	vadd.scan.msk.s32 $0xffff, v5;
	v5, _, _ =	vpop (xrf0)  }
0x29a: {  	(v2sf) =	vpush v5, $0xF;
	v6, _, _ =	vpop (xrf0)  }
0x29b: {  	s22 =	ssub.s32 $0x20000, s20;
	s0 =	sadd.s32 s24, s0;
	(v2sf) =	vpush v6, $0xF;
	v7, _, _ =	vpop (xrf0)  }
0x29c: {  	s23 =	simm.s32 $0xFFFFFFFF;
	s30 =	simm.s32 $0x1BF00;
	s0 =	sadd.s32 s25, s0;
	(v2sf) =	vpush v7, $0xF  }
0x29d: {  	s21 =	simm.s32 $0x0;
	s28 =	simm.s32 $0x1;
	v4 =	vld [tilespmem:s30+$0x0];
	s26 =	sadd.s32 s26, s0  }
0x29e: {  	p0 =	por $0x1, $0x1;
	s31 =	simm.s32 $0x0;
	v3 =	vld [tilespmem:s30+$0x10];
	p1 =	sge.s32 s26, s22  }
0x29f: {  	s29 =	simm.s32 $0x0;
	s24 =	simm.s32 $0x3;
	v5 =	vld [tilespmem:s30+$0x20];
	p0 =	por !p0, !p1  }
0x2a0: {  	s25 =	simm.s32 $0x2;
	s0 =	simm.s32 $0x4;
	v6 =	vld [tilespmem:s30+$0x30];
	v7, _, _ =	vpop (xrf0);
	p0 =	por !p0, !p0  }
.LBB2_21:
0x2a1: {  	p1 =	seq.s32 s0, $0x3FF;
	s23 =	smov.u32 @p0 s31;
	s21 =	smov.u32 @p0 s29  }
0x2a2: {  	(xrf0) =	vadd.scan.msk.s32 $0xffff, v4;
	(v2sf) =	vpush v7, $0xF;
	s31 =	smov.u32 s28;
	s28 =	smov.u32 s25;
	s25 =	smov.u32 s24  }
0x2a3: {  	s24 =	smov.u32 s0;
	s0 =	sadd.s32 $0x1, s0;
	s29 =	smov.u32 s26;
	(xrf0) =	vadd.scan.msk.s32 $0xffff, v3  }
0x2a4: {  	(xrf0) =	vadd.scan.msk.s32 $0xffff, v5;
	s1 =	spop (v2sf)  }
0x2a5: {  	(xrf0) =	vadd.scan.msk.s32 $0xffff, v6;
	s1 =	sadd.s32 s26, s1;
	s26 =	spop (v2sf)  }
0x2a6: {  	s30 =	sadd.s32 $0xFFFFFFC0, s30;
	s1 =	sadd.s32 s26, s1;
	s26 =	spop (v2sf)  }
.Ltmp11:
0x2a7: {  	v4 =	vld [tilespmem:s30+$0x0];
	s1 =	sadd.s32 s26, s1;
	s26 =	spop (v2sf);
	(pc) =	sbr.rel @!p1 .LBB2_21-.Ltmp11, $4  }
0x2a8: {  	v3 =	vld [tilespmem:s30+$0x10];
	v6, _, _ =	vpop (xrf0);
	s26 =	sadd.s32 s26, s1  }
0x2a9: {  	p0 =	slt.s32 s23, $0x0;
	v5 =	vld [tilespmem:s30+$0x20];
	(v2sf) =	vpush v6, $0xF;
	v7, _, _ =	vpop (xrf0);
	p2 =	sge.s32 s26, s22  }
0x2aa: {  	v6 =	vld [tilespmem:s30+$0x30];
	(v2sf) =	vpush v7, $0xF;
	v7, _, _ =	vpop (xrf0);
	p0 =	por !p0, !p2  }
0x2ab: {  	(v2sf) =	vpush v7, $0xF;
	v7, _, _ =	vpop (xrf0);
	p0 =	por !p0, !p0  }
0x2ac: {  	(xrf0) =	vadd.scan.msk.s32 $0xffff, v4  }
0x2ad: {  	(xrf0) =	vadd.scan.msk.s32 $0xffff, v3  }
0x2ae: {  	(xrf0) =	vadd.scan.msk.s32 $0xffff, v5  }
0x2af: {  	(xrf0) =	vadd.scan.msk.s32 $0xffff, v6;
	_ =	sdelay $0x2  }
0x2b0: {  	(v2sf) =	vpush v7, $0xF;
	v3, _, _ =	vpop (xrf0)  }
0x2b1: {  	(v2sf) =	vpush v3, $0xF;
	v3, _, _ =	vpop (xrf0)  }
0x2b2: {  	(v2sf) =	vpush v3, $0xF;
	v3, _, _ =	vpop (xrf0)  }
0x2b3: {  	(v2sf) =	vpush v3, $0xF;
	v3, _, _ =	vpop (xrf0)  }
0x2b4: {  	(v2sf) =	vpush v3, $0xF;
	_ =	sdelay $0x2  }
0x2b5: {  	s0 =	spop (v2sf)  }
0x2b6: {  	s1 =	spop (v2sf);
	s0 =	sadd.s32 s26, s0  }
0x2b7: {  	s0 =	sadd.s32 s1, s0;
	s1 =	spop (v2sf)  }
0x2b8: {  	s0 =	sadd.s32 s1, s0;
	s1 =	spop (v2sf)  }
0x2b9: {  	s23 =	smov.u32 @p0 s31;
	s0 =	sadd.s32 s1, s0  }
0x2ba: {  	p1 =	slt.s32 s23, $0x0;
	p2 =	sge.s32 s0, s22;
	s31 =	spop (v2sf)  }
0x2bb: {  	p1 =	por !p1, !p2;
	s1 =	sadd.s32 s0, s31;
	s30 =	spop (v2sf)  }
0x2bc: {  	p1 =	por !p1, !p1;
	s1 =	sadd.s32 s30, s1;
	s30 =	spop (v2sf)  }
0x2bd: {  	s23 =	smov.u32 @p1 s28;
	s1 =	sadd.s32 s30, s1;
	s31 =	spop (v2sf)  }
0x2be: {  	p6 =	slt.s32 s23, $0x0;
	s1 =	sadd.s32 s31, s1;
	s31 =	spop (v2sf)  }
0x2bf: {  	p3 =	sge.s32 s1, s22;
	s28 =	sadd.s32 s1, s31;
	s30 =	spop (v2sf)  }
0x2c0: {  	p2 =	por !p6, !p3;
	s28 =	sadd.s32 s30, s28;
	s30 =	spop (v2sf)  }
0x2c1: {  	p2 =	por !p2, !p2;
	s28 =	sadd.s32 s30, s28;
	s30 =	spop (v2sf)  }
0x2c2: {  	s23 =	smov.u32 @p2 s25;
	s31 =	sadd.s32 s30, s28  }
0x2c3: {  	p3 =	slt.s32 s23, $0x0;
	p4 =	sge.s32 s31, s22  }
0x2c4: {  	s21 =	smov.u32 @p0 s29;
	p0 =	por !p3, !p4  }
0x2c5: {  	p0 =	por !p0, !p0  }
0x2c6: {  	s23 =	smov.u32 @p0 s24  }
0x2c7: {  	s21 =	smov.u32 @p1 s26;
	s24 =	sshll.u32 s23, $0x8  }
0x2c8: {  	s21 =	smov.u32 @p2 s0;
	s0 =	ssub.s32 $0x0, s24  }
0x2c9: {  	s0 =	sshra.s32 s0, $0x2  }
0x2ca: {  	s25 =	sadd.s32 $0x1BFF0, s0  }
0x2cb: {  	v4 =	vmov s25;
	_ =	sdelay $0x3  }
0x2cc: {  	s26 =	simm.s32 $0x0  }
0x2cd: {  	v5 =	vld.idx.msk [tilespmem:v4+s26+$0x0 ss:$0x1], $0xffff;
	_ =	sdelay $0x4  }
0x2ce: {  	v6 =	vperm.xlane v5, v1  }
0x2cf: {  	(xrf0) =	vadd.scan.msk.s32 $0xffff, v5  }
0x2d0: {  	(xrf0) =	vadd.scan.msk.s32 $0xffff, v6;
	_ =	sdelay $0x4  }
0x2d1: {  	v5, _, _ =	vpop (xrf0)  }
0x2d2: {  	s21 =	smov.u32 @p0 s1;
	v6, _, _ =	vpop (xrf0)  }
0x2d3: {  	v3 =	vmov s22;
	v7 =	vadd.s32 s21, v6  }
0x2d4: {  	vm2 =	vge.s32 v7, v3  }
0x2d5: {  	v7 =	vsel vm2, $0x1, v2  }
0x2d6: {  	(xrf0) =	vadd.scan.msk.s32 $0xffff, v7;
	_ =	sdelay $0x5  }
0x2d7: {  	(v2sf) =	vpush v5, $0xF;
	v5, _, _ =	vpop (xrf0)  }
0x2d8: {  	(v2sf) =	vpush v5, $0xF;
	_ =	sdelay $0x8  }
0x2d9: {  	s28 =	simm.s32 $0xFFFFFFF0  }
0x2da: {  	v5 =	vld.idx.msk [tilespmem:v4+s28+$0x0 ss:$0x1], $0xffff;
	_ =	sdelay $0x3  }
0x2db: {  	s31 =	spop (v2sf)  }
0x2dc: {  	(xrf0) =	vadd.scan.msk.s32 $0xffff, v5;
	s28 =	spop (v2sf)  }
0x2dd: {  	s25 =	ssub.s32 $0x10, s28  }
0x2de: {  	v7 =	vperm.xlane v5, v1;
	v8 =	vmov s25  }
0x2df: {  	vm2 =	veq.s32 v8, v0  }
0x2e0: {  	(xrf0) =	vadd.scan.msk.s32 $0xffff, v7;
	v5 =	vnsel vm2, $0x0, v6  }
0x2e1: {  	(xrf0) =	vadd.scan.msk.s32 $0xffff, v5  }
0x2e2: {  	v6, _, _ =	vpop (xrf0)  }
0x2e3: {  	(v2sf) =	vpush v6, $0xF;
	_ =	sdelay $0x2  }
0x2e4: {  	v5, _, _ =	vpop (xrf0)  }
0x2e5: {  	s24 =	sadd.s32 s21, s31;
	v6, _, _ =	vpop (xrf0)  }
0x2e6: {  	(v2sf) =	vpush v6, $0xF;
	v6 =	vadd.s32 s24, v5  }
0x2e7: {  	vm2 =	vge.s32 v6, v3  }
0x2e8: {  	v6 =	vsel vm2, $0x1, v2  }
0x2e9: {  	(xrf0) =	vadd.scan.msk.s32 $0xffff, v6;
	_ =	sdelay $0x5  }
0x2ea: {  	v6, _, _ =	vpop (xrf0)  }
0x2eb: {  	s26 =	spop (v2sf);
	(v2sf) =	vpush v6, $0xF;
	_ =	sdelay $0x1  }
0x2ec: {  	p5 =	por $0x1, $0x1;
	s23 =	sshll.u32 s23, $0x6  }
0x2ed: {  	s29 =	simm.s32 $0xFFFFFF80;
	s22 =	simm.s32 $0xFFFFFFFF;
	s0 =	ssub.s32 $0xFFEF, s23  }
0x2ee: {  	s23 =	simm.s32 $0x0;
	p6 =	sgt.s32 s28, $0x0;
	s30 =	sadd.s32 s0, s28  }
0x2ef: {  	p0 =	por !p5, !p6;
	s25 =	sadd.s32 $0xFFFFFFF0, s0;
	s31 =	spop (v2sf)  }
0x2f0: {  	p1 =	por !p0, !p0;
	s26 =	sadd.s32 s24, s26;
	s0 =	sadd.s32 s21, s31  }
.LBB2_23:
0x2f1: {  	s22 =	smov.u32 @p1 s30;
	s23 =	smov.u32 @p1 s0;
	s1 =	smov.u32 s29  }
0x2f2: {  	s21 =	sadd.s32 $0xFFFFFFC0, s29;
	s28 =	smov.u32 s24;
	s24 =	smov.u32 s26  }
0x2f3: {  	p0 =	sne.s32 s29, $0xFFFFFF40;
	s0 =	smov.u32 s25  }
0x2f4: {  	s1 =	sshra.s32 s1, $0x2  }
0x2f5: {  	v6 =	vld.idx.msk [tilespmem:v4+s1+$0x0 ss:$0x1], $0xffff;
	_ =	sdelay $0x3  }
0x2f6: {  	s1 =	spop (v2sf)  }
0x2f7: {  	p1 =	slt.s32 s22, $0x0;
	s29 =	ssub.s32 $0x10, s1;
	p2 =	sgt.s32 s1, $0x0  }
0x2f8: {  	v7 =	vperm.xlane v6, v1;
	(xrf0) =	vadd.scan.msk.s32 $0xffff, v6;
	v6 =	vmov s29;
	p1 =	por !p1, !p2  }
0x2f9: {  	vm2 =	veq.s32 v6, v0  }
0x2fa: {  	(xrf0) =	vadd.scan.msk.s32 $0xffff, v7;
	v5 =	vnsel vm2, $0x0, v5  }
0x2fb: {  	(xrf0) =	vadd.scan.msk.s32 $0xffff, v5;
	_ =	sdelay $0x2  }
0x2fc: {  	v5, _, _ =	vpop (xrf0)  }
0x2fd: {  	(v2sf) =	vpush v5, $0xF  }
0x2fe: {  	v5, _, _ =	vpop (xrf0)  }
0x2ff: {  	v6 =	vadd.s32 s26, v5;
	v7, _, _ =	vpop (xrf0)  }
0x300: {  	vm2 =	vge.s32 v6, v3;
	(v2sf) =	vpush v7, $0xF  }
0x301: {  	v6 =	vsel vm2, $0x1, v2  }
0x302: {  	(xrf0) =	vadd.scan.msk.s32 $0xffff, v6;
	_ =	sdelay $0x5  }
0x303: {  	v6, _, _ =	vpop (xrf0)  }
0x304: {  	(v2sf) =	vpush v6, $0xF;
	_ =	sdelay $0x2  }
.Ltmp12:
0x305: {  	s29 =	spop (v2sf);
	(pc) =	sbr.rel @p0 .LBB2_23-.Ltmp12, $3  }
0x306: {  	s26 =	sadd.s32 s26, s29;
	_ =	sdelay $0x1  }
0x307: {  	s25 =	sadd.s32 $0xFFFFFFF0, s25;
	s30 =	sadd.s32 s0, s1;
	s29 =	spop (v2sf)  }
0x308: {  	p1 =	por !p1, !p1;
	s0 =	sadd.s32 s28, s29;
	s29 =	smov.u32 s21  }
0x309: {  	_ =	sdelay $0x6  }
0x30a: {  	s1 =	spop (v2sf)  }
0x30b: {  	s21 =	ssub.s32 $0x10, s1  }
0x30c: {  	v3 =	vmov s21  }
0x30d: {  	vm2 =	veq.s32 v3, v0  }
0x30e: {  	v3 =	vnsel vm2, $0x0, v5  }
0x30f: {  	(xrf0) =	vadd.scan.msk.s32 $0xffff, v3;
	_ =	sdelay $0x5  }
0x310: {  	v3, _, _ =	vpop (xrf0)  }
0x311: {  	(v2sf) =	vpush v3, $0xF;
	_ =	sdelay $0xc  }
0x312: {  	s22 =	smov.u32 @p1 s30  }
0x313: {  	p0 =	slt.s32 s22, $0x0;
	p2 =	sgt.s32 s1, $0x0  }
0x314: {  	p0 =	por !p0, !p2;
	s29 =	spop (v2sf)  }
0x315: {  	s23 =	smov.u32 @p1 s0;
	p0 =	por !p0, !p0;
	s0 =	sadd.s32 s24, s29  }
0x316: {  	s23 =	smov.u32 @p0 s0  }
0x317: {  	s0 =	sadd.s32 s25, s1;
	s30 =	sadd.s32 s20, s23  }
0x318: {  	s31 =	sshll.u32 s19, $0x10;
	s22 =	smov.u32 @p0 s0;
	s1 =	scvt.s32.f32 s30  }
0x319: {  	s0 =	sor.u32 s31, s22  }
0x31a: {  	v3 =	vmov s0;
	v4 =	vmov s1  }
0x31b: {  	v3 =	vnsel vm0, $0x0, v3;
	v4 =	vnsel vm1, $0x0, v4  }
0x31c: {  	s18 =	sadd.s32 $0x1, s18;
	v3 =	vadd.f32 v3, v4  }
0x31d: {  	p0 =	sne.s32 s18, s10  }
.Ltmp13:
0x31e: {  	[tilespmem:$0x1C080] =	vst v3;
	(pc) =	sbr.rel @p0 .LBB2_2-.Ltmp13, $4  }
0x31f: {  	[hbm4b:s9+s4] =	stream.linear.scatter [tilespmem:s17], [sflag:$0x3], $0x80, $0x38;
	[tilespmem:$0x1C100] =	vst v63  }
0x320: {  	_ =	swait.ge [sflag:s12], $0x80  }
0x321: {  	[sflag:s12] =	ssyncset.done $0x0  }
0x322: {  	[sflag:s12] =	ssyncadd.s32 $0xFFFFFF80  }
.LBB2_25:
0x323: {  	_ =	sfence.sel $0x180000  }
0x324: {  	[bflag:$0x0] =	sbarrier.arrive $0xFFFF  }
0x325: {  	_ =	strace $0x90000047  }
0x326: {  	s0 =	stileid.u32;
	[bflag:$0x2] =	sbarrier.arrive $0xFFFF  }
0x327: {  	p0 =	sne.s32 s0, $0x0;
	s0 =	rddreg [dreg:$0x2]  }
0x328: {  	s0 =	sadd.s32 @!p0 $0x100000, s0  }
0x329: {  	[sflag:s0] =	ssyncadd.tile.s32 @!p0 $0x1;
	_ =	shalt  }
.Lfunc_end2:
_tile_overlayer_lowered:
.L_overlay_start_2:
0x32a: {  	(tag) =	ssettag $0x2  }
0x32b: {  	s0 =	rddreg [dreg:$0x0];
	s2 =	stileid.u32  }
0x32c: {  	s1 =	rddreg [dreg:$0x1];
	p0 =	sne.s32 s2, $0x0  }
0x32d: {  	s3 =	rddreg [dreg:$0x2];
	[bflag:$0x3] =	sbarrier.arrive $0xFFFF;
	s2 =	simm.s32 @!p0 $0x1C03  }
0x32e: {  	[timem:s3], [sflag:s2] =	dma.local @!p0 [hbm:s0], s1  }
0x32f: {  	s0 =	simm.s32 @!p0 $0x3  }
0x330: {  	_ =	swait.ge @!p0 [sflag:s0], s1  }
0x331: {  	s1 =	ssub.s32 @!p0 $0x0, s1;
	[sflag:s0] =	ssyncset.done @!p0 $0x0  }
0x332: {  	[sflag:s0] =	ssyncadd.s32 @!p0 s1  }
0x333: {  	[bflag:$0x3] =	sbarrier.arrive $0xFFFF  }
0x334: {  	_ =	shalt  }

</sc_bundles>
